<compile_context>
chip_gen: v7x
topology: tpu7x:2x2x1
jax: 0.10.2.dev20260603
libtpu: 0.0.44.dev20260713+nightly
codegen_flags: <defaults>
</compile_context>

<pallas_src>
import functools

import jax
import jax.numpy as jnp
from jax import lax
from jax.experimental import pallas as pl
from jax.experimental.pallas import tpu as pltpu
from jax.experimental.pallas import tpu_sc as plsc

_EMB_DIM = 64
_N_CODES = 1024
_GROUP = 16
_N_GROUPS = _N_CODES // _GROUP
_COMMIT = 0.25
_LANES = 16


def _vq_body(num_steps, bpg, total_elems, x_ref, e2_ref, w_ref,
             idx_ref, loss_ref):
    n = pl.program_id(0)
    es = e2_ref[...]
    e = es * 0.5
    b = jnp.sum(e * e, axis=1, keepdims=True)

    part = jnp.float32(0.0)
    for i in range(bpg):
        x = x_ref[i]
        p = x.shape[1]

        a = jnp.sum(x * x, axis=0, keepdims=True)
        m2 = jnp.dot(es, x, preferred_element_type=jnp.float32)
        d = (a + b) - m2

        mn = jnp.min(d, axis=0, keepdims=True)
        ohm = jnp.where(d == mn, jnp.float32(1), jnp.float32(0))

        bm = jnp.dot(w_ref[...], ohm, preferred_element_type=jnp.float32)
        gi = jax.lax.broadcasted_iota(
            jnp.int32, (_N_GROUPS, p), 0).astype(jnp.float32)
        key = jnp.where(bm > 0.0, gi * 65536.0 + bm, jnp.float32(1e9))
        kmin = jnp.min(key, axis=0)

        gstar = jnp.floor(kmin * (1.0 / 65536.0))
        bstar = (kmin - gstar * 65536.0).astype(jnp.int32)
        low = jnp.bitwise_and(bstar, -bstar).astype(jnp.float32)
        ctz = (jax.lax.shift_right_logical(
            jax.lax.bitcast_convert_type(low, jnp.int32), 23) - 127)
        idx = gstar.astype(jnp.int32) * _GROUP + ctz
        idx_ref[i, 0] = idx

        part = part + jnp.sum(mn)

    @pl.when(n == 0)
    def _init():
        loss_ref[0, 0] = 0.0

    loss_ref[0, 0] += part

    @pl.when(n == num_steps - 1)
    def _fin():
        loss_ref[0, 0] = loss_ref[0, 0] * ((1.0 + _COMMIT) / total_elems)


def _make_sc_lookup(n_b, c, hw):
    num_cores, num_subcores = 2, 16
    assert n_b == num_cores * num_subcores, n_b
    half = c // 2
    mesh = plsc.VectorSubcoreMesh(core_axis_name="c", subcore_axis_name="s")

    @functools.partial(
        pl.kernel, mesh=mesh,
        compiler_params=pltpu.CompilerParams(needs_layout_passes=False),
        out_type=jax.ShapeDtypeStruct((n_b, c * hw), jnp.float32),
        scratch_types=[
            pltpu.VMEM((c * hw,), jnp.float32),
            pltpu.VMEM((hw,), jnp.int32),
            pltpu.VMEM((half * hw,), jnp.float32),
        ],
    )
    def sc_lookup(et_hbm, idx_hbm, q_hbm, et_v, idx_v, out_v):
        wid = lax.axis_index("s") * num_cores + lax.axis_index("c")
        pltpu.sync_copy(et_hbm, et_v)
        pltpu.sync_copy(idx_hbm.at[wid], idx_v)
        for h in range(2):
            def body(t, carry):
                iv = idx_v[pl.ds(t * _LANES, _LANES)]
                for cc in range(half):
                    flat = iv + jnp.int32((cc + h * half) * _N_CODES)
                    vals = plsc.load_gather(et_v, [flat])
                    out_v[pl.ds(cc * hw + t * _LANES, _LANES)] = vals
                return carry
            lax.fori_loop(0, hw // _LANES, body, jnp.int32(0))
            pltpu.sync_copy(out_v,
                            q_hbm.at[wid, pl.ds(h * half * hw, half * hw)])

    return sc_lookup


def kernel(latents, embedding_weight):
    n_b, c, h, w = latents.shape
    hw = h * w
    bpg = 2
    steps = n_b // bpg
    x3 = latents.reshape(n_b, c, hw)
    e2 = embedding_weight * 2.0
    et = embedding_weight.T
    jj = jnp.arange(_N_CODES)
    wm = jnp.where(jj[None, :] // _GROUP == jnp.arange(_N_GROUPS)[:, None],
                   2.0 ** (jj[None, :] % _GROUP), 0.0).astype(jnp.float32)

    idx3, loss = pl.pallas_call(
        functools.partial(_vq_body, steps, bpg, n_b * c * hw),
        grid=(steps,),
        in_specs=[
            pl.BlockSpec((bpg, c, hw), lambda n: (n, 0, 0)),
            pl.BlockSpec((_N_CODES, c), lambda n: (0, 0)),
            pl.BlockSpec((_N_GROUPS, _N_CODES), lambda n: (0, 0)),
        ],
        out_specs=[
            pl.BlockSpec((bpg, 1, hw), lambda n: (n, 0, 0)),
            pl.BlockSpec((1, 1), lambda n: (0, 0), memory_space=pltpu.SMEM),
        ],
        out_shape=[
            jax.ShapeDtypeStruct((n_b, 1, hw), jnp.int32),
            jax.ShapeDtypeStruct((1, 1), jnp.float32),
        ],
    )(x3, e2, wm)

    q3 = _make_sc_lookup(n_b, c, hw)(et.reshape(-1), idx3.reshape(n_b, hw))

    return (q3.reshape(latents.shape), loss[0, 0], idx3.reshape(n_b, h, w))

# --- scband reference (transcript-rebuilt; emitter-appended) ---
"""Pipeline reference for scband-vector-quantizer-55276229100052 (READ-ONLY COPY).

The authoritative reference and input builder live on the scoring server;
editing this copy changes nothing except your own understanding.
"""

import jax, jax.numpy as jnp
import numpy as np

NUM_EMBEDDINGS = 1024
EMBEDDING_DIM = 64
COMMITMENT_COST = 0.25


def setup_inputs(seed: int = 0) -> dict:
    key = jax.random.key(seed)
    k1, k2 = jax.random.split(key)
    latents = jax.random.normal(k1, (32, 64, 32, 32), dtype=jnp.float32)
    embedding_weight = jax.random.uniform(
        k2, (NUM_EMBEDDINGS, EMBEDDING_DIM),
        minval=-1.0 / NUM_EMBEDDINGS, maxval=1.0 / NUM_EMBEDDINGS,
        dtype=jnp.float32)
    return {"latents": latents, "embedding_weight": embedding_weight}


def reference(latents, embedding_weight):
    # NCHW -> NHWC
    lt = jnp.transpose(latents, (0, 2, 3, 1))
    flat = lt.reshape(-1, EMBEDDING_DIM)
    distances = (jnp.sum(flat ** 2, axis=1, keepdims=True)
                 + jnp.sum(embedding_weight ** 2, axis=1)
                 - 2.0 * jnp.matmul(flat, embedding_weight.T))
    encoding_indices = jnp.argmin(distances, axis=1)
    encodings = jax.nn.one_hot(encoding_indices, NUM_EMBEDDINGS, dtype=flat.dtype)
    quantized_flat = jnp.matmul(encodings, embedding_weight)
    quantized = quantized_flat.reshape(lt.shape)
    quantized_nchw = jnp.transpose(quantized, (0, 3, 1, 2))
    e_latent_loss = jnp.mean((jax.lax.stop_gradient(quantized_nchw) - latents) ** 2)
    q_latent_loss = jnp.mean((quantized_nchw - jax.lax.stop_gradient(latents)) ** 2)
    loss = q_latent_loss + COMMITMENT_COST * e_latent_loss
    quantized_st = latents + jax.lax.stop_gradient(quantized_nchw - latents)
    return (quantized_st, loss, encoding_indices.reshape(lt.shape[:-1]))

if __name__ == "__main__":
    import jax
    _d = setup_inputs()
    print(jax.jit(kernel)(*tuple(_d.values())))

</pallas_src>

<mosaic_0001>
#map = affine_map<(d0, d1) -> (0)>
#map1 = affine_map<(d0, d1) -> (0, 0)>
module attributes {stable_mosaic.version = 14 : i64} {
  func.func @sc_lookup(%arg0: i32, %arg1: i32, %arg2: memref<65536xf32, #tpu.memory_space<hbm>>, %arg3: memref<32x1024xi32, #tpu.memory_space<hbm>>, %arg4: memref<32x65536xf32, #tpu.memory_space<hbm>>, %arg5: memref<65536xf32, #tpu.memory_space<vmem>>, %arg6: memref<1024xi32, #tpu.memory_space<vmem>>, %arg7: memref<32768xf32, #tpu.memory_space<vmem>>) attributes {dimension_semantics = [#tpu.dimension_semantics<core_parallel>, #tpu.dimension_semantics<subcore_parallel>], iteration_bounds = array<i64: 2, 16>, scalar_prefetch = 0 : i64, scratch_operands = 3 : i64, tpu.core_type = #tpu.core_type<sc_vector_subcore>, window_params = [{transform_indices = #map}, {transform_indices = #map1}, {transform_indices = #map1}]} {
    %mul3A = arith.constant 2 : i32
    %mul3A_0 = arith.muli %arg1, %mul3A : i32
    %add3A = arith.addi %mul3A_0, %arg0 : i32
    "tpu.region"() ({
      %run_scoped3A = tpu.sem_alloc : memref<!tpu.dma_semaphore, #tpu.memory_space<semaphore_mem>>
      tpu.enqueue_dma source(%arg2 : memref<65536xf32, #tpu.memory_space<hbm>>) target(%arg5 : memref<65536xf32, #tpu.memory_space<vmem>>) target_semaphore(%run_scoped3A : memref<!tpu.dma_semaphore, #tpu.memory_space<semaphore_mem>>)
      tpu.wait_dma2 semaphore(%run_scoped3A : memref<!tpu.dma_semaphore, #tpu.memory_space<semaphore_mem>>) src(%arg2 : memref<65536xf32, #tpu.memory_space<hbm>>) dst(%arg5 : memref<65536xf32, #tpu.memory_space<vmem>>)
      tpu.yield
    }) : () -> ()
    "tpu.region"() ({
      %run_scoped3A = tpu.sem_alloc : memref<!tpu.dma_semaphore, #tpu.memory_space<semaphore_mem>>
      %dma_start3A = arith.constant 0 : i32
      %dma_start3A_12 = tpu.memref_slice %arg3[%add3A, %dma_start3A] : memref<32x1024xi32, #tpu.memory_space<hbm>> -> memref<1x1024xi32, #tpu.memory_space<hbm>>
      %dma_start3A_13 = tpu.memref_squeeze %dma_start3A_12 : memref<1x1024xi32, #tpu.memory_space<hbm>> -> memref<1024xi32, #tpu.memory_space<hbm>>
      %dma_start3A_14 = arith.constant 0 : i32
      %dma_start3A_15 = tpu.memref_slice %arg3[%add3A, %dma_start3A_14] : memref<32x1024xi32, #tpu.memory_space<hbm>> -> memref<1x1024xi32, #tpu.memory_space<hbm>>
      %dma_start3A_16 = tpu.memref_squeeze %dma_start3A_15 : memref<1x1024xi32, #tpu.memory_space<hbm>> -> memref<1024xi32, #tpu.memory_space<hbm>>
      tpu.enqueue_dma source(%dma_start3A_16 : memref<1024xi32, #tpu.memory_space<hbm>>) target(%arg6 : memref<1024xi32, #tpu.memory_space<vmem>>) target_semaphore(%run_scoped3A : memref<!tpu.dma_semaphore, #tpu.memory_space<semaphore_mem>>)
      %dma_wait3A = arith.constant 0 : i32
      %dma_wait3A_17 = tpu.memref_slice %arg3[%add3A, %dma_wait3A] : memref<32x1024xi32, #tpu.memory_space<hbm>> -> memref<1x1024xi32, #tpu.memory_space<hbm>>
      %dma_wait3A_18 = tpu.memref_squeeze %dma_wait3A_17 : memref<1x1024xi32, #tpu.memory_space<hbm>> -> memref<1024xi32, #tpu.memory_space<hbm>>
      %dma_wait3A_19 = arith.constant 0 : i32
      %dma_wait3A_20 = tpu.memref_slice %arg3[%add3A, %dma_wait3A_19] : memref<32x1024xi32, #tpu.memory_space<hbm>> -> memref<1x1024xi32, #tpu.memory_space<hbm>>
      %dma_wait3A_21 = tpu.memref_squeeze %dma_wait3A_20 : memref<1x1024xi32, #tpu.memory_space<hbm>> -> memref<1024xi32, #tpu.memory_space<hbm>>
      tpu.wait_dma2 semaphore(%run_scoped3A : memref<!tpu.dma_semaphore, #tpu.memory_space<semaphore_mem>>) src(%dma_wait3A_21 : memref<1024xi32, #tpu.memory_space<hbm>>) dst(%arg6 : memref<1024xi32, #tpu.memory_space<vmem>>)
      tpu.yield
    }) : () -> ()
    %scan3A = arith.constant 0 : i32
    %scan3A_1 = arith.constant 0 : i32
    %scan3A_2 = arith.constant 64 : i32
    %scan3A_3 = arith.addi %scan3A_1, %scan3A_2 : i32
    %scan3A_4 = arith.constant 1 : i32
    scf.for %scan3A_12 = %scan3A_1 to %scan3A_3 step %scan3A_4  : i32 {
      %mul3A_13 = arith.constant 16 : i32
      %mul3A_14 = arith.muli %scan3A_12, %mul3A_13 : i32
      %get3A = arith.index_cast %mul3A_14 : i32 to index
      %get3A_15 = tpu.vector_load %arg6[%get3A] {strides = array<i32>} : memref<1024xi32, #tpu.memory_space<vmem>>, vector<16xi32>,
      %add3A_16 = arith.constant 0 : i32
      %add3A_17 = vector.broadcast %add3A_16 : i32 to vector<16xi32>
      %add3A_18 = arith.addi %get3A_15, %add3A_17 : vector<16xi32>
      %gather3A = tpu.vector_load_idx %arg5[%add3A_18] : memref<65536xf32, #tpu.memory_space<vmem>>[vector<16xi32>], vector<16xf32>,
      %mul3A_19 = arith.constant 16 : i32
      %mul3A_20 = arith.muli %scan3A_12, %mul3A_19 : i32
      %add3A_21 = arith.constant 0 : i32
      %add3A_22 = arith.addi %add3A_21, %mul3A_20 : i32
      %swap3A = arith.index_cast %add3A_22 : i32 to index
      %swap3A_23 = tpu.vector_load %arg7[%swap3A] {strides = array<i32>} : memref<32768xf32, #tpu.memory_space<vmem>>, vector<16xf32>,
      tpu.vector_store %arg7[%swap3A], %gather3A {strides = array<i32>} : memref<32768xf32, #tpu.memory_space<vmem>>, vector<16xf32>,
      %add3A_24 = arith.constant 1024 : i32
      %add3A_25 = vector.broadcast %add3A_24 : i32 to vector<16xi32>
      %add3A_26 = arith.addi %get3A_15, %add3A_25 : vector<16xi32>
      %gather3A_27 = tpu.vector_load_idx %arg5[%add3A_26] : memref<65536xf32, #tpu.memory_space<vmem>>[vector<16xi32>], vector<16xf32>,
      %mul3A_28 = arith.constant 16 : i32
      %mul3A_29 = arith.muli %scan3A_12, %mul3A_28 : i32
      %add3A_30 = arith.constant 1024 : i32
      %add3A_31 = arith.addi %add3A_30, %mul3A_29 : i32
      %swap3A_32 = arith.index_cast %add3A_31 : i32 to index
      %swap3A_33 = tpu.vector_load %arg7[%swap3A_32] {strides = array<i32>} : memref<32768xf32, #tpu.memory_space<vmem>>, vector<16xf32>,
      tpu.vector_store %arg7[%swap3A_32], %gather3A_27 {strides = array<i32>} : memref<32768xf32, #tpu.memory_space<vmem>>, vector<16xf32>,
      %add3A_34 = arith.constant 2048 : i32
      %add3A_35 = vector.broadcast %add3A_34 : i32 to vector<16xi32>
      %add3A_36 = arith.addi %get3A_15, %add3A_35 : vector<16xi32>
      %gather3A_37 = tpu.vector_load_idx %arg5[%add3A_36] : memref<65536xf32, #tpu.memory_space<vmem>>[vector<16xi32>], vector<16xf32>,
      %mul3A_38 = arith.constant 16 : i32
      %mul3A_39 = arith.muli %scan3A_12, %mul3A_38 : i32
      %add3A_40 = arith.constant 2048 : i32
      %add3A_41 = arith.addi %add3A_40, %mul3A_39 : i32
      %swap3A_42 = arith.index_cast %add3A_41 : i32 to index
      %swap3A_43 = tpu.vector_load %arg7[%swap3A_42] {strides = array<i32>} : memref<32768xf32, #tpu.memory_space<vmem>>, vector<16xf32>,
      tpu.vector_store %arg7[%swap3A_42], %gather3A_37 {strides = array<i32>} : memref<32768xf32, #tpu.memory_space<vmem>>, vector<16xf32>,
      %add3A_44 = arith.constant 3072 : i32
      %add3A_45 = vector.broadcast %add3A_44 : i32 to vector<16xi32>
      %add3A_46 = arith.addi %get3A_15, %add3A_45 : vector<16xi32>
      %gather3A_47 = tpu.vector_load_idx %arg5[%add3A_46] : memref<65536xf32, #tpu.memory_space<vmem>>[vector<16xi32>], vector<16xf32>,
      %mul3A_48 = arith.constant 16 : i32
      %mul3A_49 = arith.muli %scan3A_12, %mul3A_48 : i32
      %add3A_50 = arith.constant 3072 : i32
      %add3A_51 = arith.addi %add3A_50, %mul3A_49 : i32
      %swap3A_52 = arith.index_cast %add3A_51 : i32 to index
      %swap3A_53 = tpu.vector_load %arg7[%swap3A_52] {strides = array<i32>} : memref<32768xf32, #tpu.memory_space<vmem>>, vector<16xf32>,
      tpu.vector_store %arg7[%swap3A_52], %gather3A_47 {strides = array<i32>} : memref<32768xf32, #tpu.memory_space<vmem>>, vector<16xf32>,
      %add3A_54 = arith.constant 4096 : i32
      %add3A_55 = vector.broadcast %add3A_54 : i32 to vector<16xi32>
      %add3A_56 = arith.addi %get3A_15, %add3A_55 : vector<16xi32>
      %gather3A_57 = tpu.vector_load_idx %arg5[%add3A_56] : memref<65536xf32, #tpu.memory_space<vmem>>[vector<16xi32>], vector<16xf32>,
      %mul3A_58 = arith.constant 16 : i32
      %mul3A_59 = arith.muli %scan3A_12, %mul3A_58 : i32
      %add3A_60 = arith.constant 4096 : i32
      %add3A_61 = arith.addi %add3A_60, %mul3A_59 : i32
      %swap3A_62 = arith.index_cast %add3A_61 : i32 to index
      %swap3A_63 = tpu.vector_load %arg7[%swap3A_62] {strides = array<i32>} : memref<32768xf32, #tpu.memory_space<vmem>>, vector<16xf32>,
      tpu.vector_store %arg7[%swap3A_62], %gather3A_57 {strides = array<i32>} : memref<32768xf32, #tpu.memory_space<vmem>>, vector<16xf32>,
      %add3A_64 = arith.constant 5120 : i32
      %add3A_65 = vector.broadcast %add3A_64 : i32 to vector<16xi32>
      %add3A_66 = arith.addi %get3A_15, %add3A_65 : vector<16xi32>
      %gather3A_67 = tpu.vector_load_idx %arg5[%add3A_66] : memref<65536xf32, #tpu.memory_space<vmem>>[vector<16xi32>], vector<16xf32>,
      %mul3A_68 = arith.constant 16 : i32
      %mul3A_69 = arith.muli %scan3A_12, %mul3A_68 : i32
      %add3A_70 = arith.constant 5120 : i32
      %add3A_71 = arith.addi %add3A_70, %mul3A_69 : i32
      %swap3A_72 = arith.index_cast %add3A_71 : i32 to index
      %swap3A_73 = tpu.vector_load %arg7[%swap3A_72] {strides = array<i32>} : memref<32768xf32, #tpu.memory_space<vmem>>, vector<16xf32>,
      tpu.vector_store %arg7[%swap3A_72], %gather3A_67 {strides = array<i32>} : memref<32768xf32, #tpu.memory_space<vmem>>, vector<16xf32>,
      %add3A_74 = arith.constant 6144 : i32
      %add3A_75 = vector.broadcast %add3A_74 : i32 to vector<16xi32>
      %add3A_76 = arith.addi %get3A_15, %add3A_75 : vector<16xi32>
      %gather3A_77 = tpu.vector_load_idx %arg5[%add3A_76] : memref<65536xf32, #tpu.memory_space<vmem>>[vector<16xi32>], vector<16xf32>,
      %mul3A_78 = arith.constant 16 : i32
      %mul3A_79 = arith.muli %scan3A_12, %mul3A_78 : i32
      %add3A_80 = arith.constant 6144 : i32
      %add3A_81 = arith.addi %add3A_80, %mul3A_79 : i32
      %swap3A_82 = arith.index_cast %add3A_81 : i32 to index
      %swap3A_83 = tpu.vector_load %arg7[%swap3A_82] {strides = array<i32>} : memref<32768xf32, #tpu.memory_space<vmem>>, vector<16xf32>,
      tpu.vector_store %arg7[%swap3A_82], %gather3A_77 {strides = array<i32>} : memref<32768xf32, #tpu.memory_space<vmem>>, vector<16xf32>,
      %add3A_84 = arith.constant 7168 : i32
      %add3A_85 = vector.broadcast %add3A_84 : i32 to vector<16xi32>
      %add3A_86 = arith.addi %get3A_15, %add3A_85 : vector<16xi32>
      %gather3A_87 = tpu.vector_load_idx %arg5[%add3A_86] : memref<65536xf32, #tpu.memory_space<vmem>>[vector<16xi32>], vector<16xf32>,
      %mul3A_88 = arith.constant 16 : i32
      %mul3A_89 = arith.muli %scan3A_12, %mul3A_88 : i32
      %add3A_90 = arith.constant 7168 : i32
      %add3A_91 = arith.addi %add3A_90, %mul3A_89 : i32
      %swap3A_92 = arith.index_cast %add3A_91 : i32 to index
      %swap3A_93 = tpu.vector_load %arg7[%swap3A_92] {strides = array<i32>} : memref<32768xf32, #tpu.memory_space<vmem>>, vector<16xf32>,
      tpu.vector_store %arg7[%swap3A_92], %gather3A_87 {strides = array<i32>} : memref<32768xf32, #tpu.memory_space<vmem>>, vector<16xf32>,
      %add3A_94 = arith.constant 8192 : i32
      %add3A_95 = vector.broadcast %add3A_94 : i32 to vector<16xi32>
      %add3A_96 = arith.addi %get3A_15, %add3A_95 : vector<16xi32>
      %gather3A_97 = tpu.vector_load_idx %arg5[%add3A_96] : memref<65536xf32, #tpu.memory_space<vmem>>[vector<16xi32>], vector<16xf32>,
      %mul3A_98 = arith.constant 16 : i32
      %mul3A_99 = arith.muli %scan3A_12, %mul3A_98 : i32
      %add3A_100 = arith.constant 8192 : i32
      %add3A_101 = arith.addi %add3A_100, %mul3A_99 : i32
      %swap3A_102 = arith.index_cast %add3A_101 : i32 to index
      %swap3A_103 = tpu.vector_load %arg7[%swap3A_102] {strides = array<i32>} : memref<32768xf32, #tpu.memory_space<vmem>>, vector<16xf32>,
      tpu.vector_store %arg7[%swap3A_102], %gather3A_97 {strides = array<i32>} : memref<32768xf32, #tpu.memory_space<vmem>>, vector<16xf32>,
      %add3A_104 = arith.constant 9216 : i32
      %add3A_105 = vector.broadcast %add3A_104 : i32 to vector<16xi32>
      %add3A_106 = arith.addi %get3A_15, %add3A_105 : vector<16xi32>
      %gather3A_107 = tpu.vector_load_idx %arg5[%add3A_106] : memref<65536xf32, #tpu.memory_space<vmem>>[vector<16xi32>], vector<16xf32>,
      %mul3A_108 = arith.constant 16 : i32
      %mul3A_109 = arith.muli %scan3A_12, %mul3A_108 : i32
      %add3A_110 = arith.constant 9216 : i32
      %add3A_111 = arith.addi %add3A_110, %mul3A_109 : i32
      %swap3A_112 = arith.index_cast %add3A_111 : i32 to index
      %swap3A_113 = tpu.vector_load %arg7[%swap3A_112] {strides = array<i32>} : memref<32768xf32, #tpu.memory_space<vmem>>, vector<16xf32>,
      tpu.vector_store %arg7[%swap3A_112], %gather3A_107 {strides = array<i32>} : memref<32768xf32, #tpu.memory_space<vmem>>, vector<16xf32>,
      %add3A_114 = arith.constant 10240 : i32
      %add3A_115 = vector.broadcast %add3A_114 : i32 to vector<16xi32>
      %add3A_116 = arith.addi %get3A_15, %add3A_115 : vector<16xi32>
      %gather3A_117 = tpu.vector_load_idx %arg5[%add3A_116] : memref<65536xf32, #tpu.memory_space<vmem>>[vector<16xi32>], vector<16xf32>,
      %mul3A_118 = arith.constant 16 : i32
      %mul3A_119 = arith.muli %scan3A_12, %mul3A_118 : i32
      %add3A_120 = arith.constant 10240 : i32
      %add3A_121 = arith.addi %add3A_120, %mul3A_119 : i32
      %swap3A_122 = arith.index_cast %add3A_121 : i32 to index
      %swap3A_123 = tpu.vector_load %arg7[%swap3A_122] {strides = array<i32>} : memref<32768xf32, #tpu.memory_space<vmem>>, vector<16xf32>,
      tpu.vector_store %arg7[%swap3A_122], %gather3A_117 {strides = array<i32>} : memref<32768xf32, #tpu.memory_space<vmem>>, vector<16xf32>,
      %add3A_124 = arith.constant 11264 : i32
      %add3A_125 = vector.broadcast %add3A_124 : i32 to vector<16xi32>
      %add3A_126 = arith.addi %get3A_15, %add3A_125 : vector<16xi32>
      %gather3A_127 = tpu.vector_load_idx %arg5[%add3A_126] : memref<65536xf32, #tpu.memory_space<vmem>>[vector<16xi32>], vector<16xf32>,
      %mul3A_128 = arith.constant 16 : i32
      %mul3A_129 = arith.muli %scan3A_12, %mul3A_128 : i32
      %add3A_130 = arith.constant 11264 : i32
      %add3A_131 = arith.addi %add3A_130, %mul3A_129 : i32
      %swap3A_132 = arith.index_cast %add3A_131 : i32 to index
      %swap3A_133 = tpu.vector_load %arg7[%swap3A_132] {strides = array<i32>} : memref<32768xf32, #tpu.memory_space<vmem>>, vector<16xf32>,
      tpu.vector_store %arg7[%swap3A_132], %gather3A_127 {strides = array<i32>} : memref<32768xf32, #tpu.memory_space<vmem>>, vector<16xf32>,
      %add3A_134 = arith.constant 12288 : i32
      %add3A_135 = vector.broadcast %add3A_134 : i32 to vector<16xi32>
      %add3A_136 = arith.addi %get3A_15, %add3A_135 : vector<16xi32>
      %gather3A_137 = tpu.vector_load_idx %arg5[%add3A_136] : memref<65536xf32, #tpu.memory_space<vmem>>[vector<16xi32>], vector<16xf32>,
      %mul3A_138 = arith.constant 16 : i32
      %mul3A_139 = arith.muli %scan3A_12, %mul3A_138 : i32
      %add3A_140 = arith.constant 12288 : i32
      %add3A_141 = arith.addi %add3A_140, %mul3A_139 : i32
      %swap3A_142 = arith.index_cast %add3A_141 : i32 to index
      %swap3A_143 = tpu.vector_load %arg7[%swap3A_142] {strides = array<i32>} : memref<32768xf32, #tpu.memory_space<vmem>>, vector<16xf32>,
      tpu.vector_store %arg7[%swap3A_142], %gather3A_137 {strides = array<i32>} : memref<32768xf32, #tpu.memory_space<vmem>>, vector<16xf32>,
      %add3A_144 = arith.constant 13312 : i32
      %add3A_145 = vector.broadcast %add3A_144 : i32 to vector<16xi32>
      %add3A_146 = arith.addi %get3A_15, %add3A_145 : vector<16xi32>
      %gather3A_147 = tpu.vector_load_idx %arg5[%add3A_146] : memref<65536xf32, #tpu.memory_space<vmem>>[vector<16xi32>], vector<16xf32>,
      %mul3A_148 = arith.constant 16 : i32
      %mul3A_149 = arith.muli %scan3A_12, %mul3A_148 : i32
      %add3A_150 = arith.constant 13312 : i32
      %add3A_151 = arith.addi %add3A_150, %mul3A_149 : i32
      %swap3A_152 = arith.index_cast %add3A_151 : i32 to index
      %swap3A_153 = tpu.vector_load %arg7[%swap3A_152] {strides = array<i32>} : memref<32768xf32, #tpu.memory_space<vmem>>, vector<16xf32>,
      tpu.vector_store %arg7[%swap3A_152], %gather3A_147 {strides = array<i32>} : memref<32768xf32, #tpu.memory_space<vmem>>, vector<16xf32>,
      %add3A_154 = arith.constant 14336 : i32
      %add3A_155 = vector.broadcast %add3A_154 : i32 to vector<16xi32>
      %add3A_156 = arith.addi %get3A_15, %add3A_155 : vector<16xi32>
      %gather3A_157 = tpu.vector_load_idx %arg5[%add3A_156] : memref<65536xf32, #tpu.memory_space<vmem>>[vector<16xi32>], vector<16xf32>,
      %mul3A_158 = arith.constant 16 : i32
      %mul3A_159 = arith.muli %scan3A_12, %mul3A_158 : i32
      %add3A_160 = arith.constant 14336 : i32
      %add3A_161 = arith.addi %add3A_160, %mul3A_159 : i32
      %swap3A_162 = arith.index_cast %add3A_161 : i32 to index
      %swap3A_163 = tpu.vector_load %arg7[%swap3A_162] {strides = array<i32>} : memref<32768xf32, #tpu.memory_space<vmem>>, vector<16xf32>,
      tpu.vector_store %arg7[%swap3A_162], %gather3A_157 {strides = array<i32>} : memref<32768xf32, #tpu.memory_space<vmem>>, vector<16xf32>,
      %add3A_164 = arith.constant 15360 : i32
      %add3A_165 = vector.broadcast %add3A_164 : i32 to vector<16xi32>
      %add3A_166 = arith.addi %get3A_15, %add3A_165 : vector<16xi32>
      %gather3A_167 = tpu.vector_load_idx %arg5[%add3A_166] : memref<65536xf32, #tpu.memory_space<vmem>>[vector<16xi32>], vector<16xf32>,
      %mul3A_168 = arith.constant 16 : i32
      %mul3A_169 = arith.muli %scan3A_12, %mul3A_168 : i32
      %add3A_170 = arith.constant 15360 : i32
      %add3A_171 = arith.addi %add3A_170, %mul3A_169 : i32
      %swap3A_172 = arith.index_cast %add3A_171 : i32 to index
      %swap3A_173 = tpu.vector_load %arg7[%swap3A_172] {strides = array<i32>} : memref<32768xf32, #tpu.memory_space<vmem>>, vector<16xf32>,
      tpu.vector_store %arg7[%swap3A_172], %gather3A_167 {strides = array<i32>} : memref<32768xf32, #tpu.memory_space<vmem>>, vector<16xf32>,
      %add3A_174 = arith.constant 16384 : i32
      %add3A_175 = vector.broadcast %add3A_174 : i32 to vector<16xi32>
      %add3A_176 = arith.addi %get3A_15, %add3A_175 : vector<16xi32>
      %gather3A_177 = tpu.vector_load_idx %arg5[%add3A_176] : memref<65536xf32, #tpu.memory_space<vmem>>[vector<16xi32>], vector<16xf32>,
      %mul3A_178 = arith.constant 16 : i32
      %mul3A_179 = arith.muli %scan3A_12, %mul3A_178 : i32
      %add3A_180 = arith.constant 16384 : i32
      %add3A_181 = arith.addi %add3A_180, %mul3A_179 : i32
      %swap3A_182 = arith.index_cast %add3A_181 : i32 to index
      %swap3A_183 = tpu.vector_load %arg7[%swap3A_182] {strides = array<i32>} : memref<32768xf32, #tpu.memory_space<vmem>>, vector<16xf32>,
      tpu.vector_store %arg7[%swap3A_182], %gather3A_177 {strides = array<i32>} : memref<32768xf32, #tpu.memory_space<vmem>>, vector<16xf32>,
      %add3A_184 = arith.constant 17408 : i32
      %add3A_185 = vector.broadcast %add3A_184 : i32 to vector<16xi32>
      %add3A_186 = arith.addi %get3A_15, %add3A_185 : vector<16xi32>
      %gather3A_187 = tpu.vector_load_idx %arg5[%add3A_186] : memref<65536xf32, #tpu.memory_space<vmem>>[vector<16xi32>], vector<16xf32>,
      %mul3A_188 = arith.constant 16 : i32
      %mul3A_189 = arith.muli %scan3A_12, %mul3A_188 : i32
      %add3A_190 = arith.constant 17408 : i32
      %add3A_191 = arith.addi %add3A_190, %mul3A_189 : i32
      %swap3A_192 = arith.index_cast %add3A_191 : i32 to index
      %swap3A_193 = tpu.vector_load %arg7[%swap3A_192] {strides = array<i32>} : memref<32768xf32, #tpu.memory_space<vmem>>, vector<16xf32>,
      tpu.vector_store %arg7[%swap3A_192], %gather3A_187 {strides = array<i32>} : memref<32768xf32, #tpu.memory_space<vmem>>, vector<16xf32>,
      %add3A_194 = arith.constant 18432 : i32
      %add3A_195 = vector.broadcast %add3A_194 : i32 to vector<16xi32>
      %add3A_196 = arith.addi %get3A_15, %add3A_195 : vector<16xi32>
      %gather3A_197 = tpu.vector_load_idx %arg5[%add3A_196] : memref<65536xf32, #tpu.memory_space<vmem>>[vector<16xi32>], vector<16xf32>,
      %mul3A_198 = arith.constant 16 : i32
      %mul3A_199 = arith.muli %scan3A_12, %mul3A_198 : i32
      %add3A_200 = arith.constant 18432 : i32
      %add3A_201 = arith.addi %add3A_200, %mul3A_199 : i32
      %swap3A_202 = arith.index_cast %add3A_201 : i32 to index
      %swap3A_203 = tpu.vector_load %arg7[%swap3A_202] {strides = array<i32>} : memref<32768xf32, #tpu.memory_space<vmem>>, vector<16xf32>,
      tpu.vector_store %arg7[%swap3A_202], %gather3A_197 {strides = array<i32>} : memref<32768xf32, #tpu.memory_space<vmem>>, vector<16xf32>,
      %add3A_204 = arith.constant 19456 : i32
      %add3A_205 = vector.broadcast %add3A_204 : i32 to vector<16xi32>
      %add3A_206 = arith.addi %get3A_15, %add3A_205 : vector<16xi32>
      %gather3A_207 = tpu.vector_load_idx %arg5[%add3A_206] : memref<65536xf32, #tpu.memory_space<vmem>>[vector<16xi32>], vector<16xf32>,
      %mul3A_208 = arith.constant 16 : i32
      %mul3A_209 = arith.muli %scan3A_12, %mul3A_208 : i32
      %add3A_210 = arith.constant 19456 : i32
      %add3A_211 = arith.addi %add3A_210, %mul3A_209 : i32
      %swap3A_212 = arith.index_cast %add3A_211 : i32 to index
      %swap3A_213 = tpu.vector_load %arg7[%swap3A_212] {strides = array<i32>} : memref<32768xf32, #tpu.memory_space<vmem>>, vector<16xf32>,
      tpu.vector_store %arg7[%swap3A_212], %gather3A_207 {strides = array<i32>} : memref<32768xf32, #tpu.memory_space<vmem>>, vector<16xf32>,
      %add3A_214 = arith.constant 20480 : i32
      %add3A_215 = vector.broadcast %add3A_214 : i32 to vector<16xi32>
      %add3A_216 = arith.addi %get3A_15, %add3A_215 : vector<16xi32>
      %gather3A_217 = tpu.vector_load_idx %arg5[%add3A_216] : memref<65536xf32, #tpu.memory_space<vmem>>[vector<16xi32>], vector<16xf32>,
      %mul3A_218 = arith.constant 16 : i32
      %mul3A_219 = arith.muli %scan3A_12, %mul3A_218 : i32
      %add3A_220 = arith.constant 20480 : i32
      %add3A_221 = arith.addi %add3A_220, %mul3A_219 : i32
      %swap3A_222 = arith.index_cast %add3A_221 : i32 to index
      %swap3A_223 = tpu.vector_load %arg7[%swap3A_222] {strides = array<i32>} : memref<32768xf32, #tpu.memory_space<vmem>>, vector<16xf32>,
      tpu.vector_store %arg7[%swap3A_222], %gather3A_217 {strides = array<i32>} : memref<32768xf32, #tpu.memory_space<vmem>>, vector<16xf32>,
      %add3A_224 = arith.constant 21504 : i32
      %add3A_225 = vector.broadcast %add3A_224 : i32 to vector<16xi32>
      %add3A_226 = arith.addi %get3A_15, %add3A_225 : vector<16xi32>
      %gather3A_227 = tpu.vector_load_idx %arg5[%add3A_226] : memref<65536xf32, #tpu.memory_space<vmem>>[vector<16xi32>], vector<16xf32>,
      %mul3A_228 = arith.constant 16 : i32
      %mul3A_229 = arith.muli %scan3A_12, %mul3A_228 : i32
      %add3A_230 = arith.constant 21504 : i32
      %add3A_231 = arith.addi %add3A_230, %mul3A_229 : i32
      %swap3A_232 = arith.index_cast %add3A_231 : i32 to index
      %swap3A_233 = tpu.vector_load %arg7[%swap3A_232] {strides = array<i32>} : memref<32768xf32, #tpu.memory_space<vmem>>, vector<16xf32>,
      tpu.vector_store %arg7[%swap3A_232], %gather3A_227 {strides = array<i32>} : memref<32768xf32, #tpu.memory_space<vmem>>, vector<16xf32>,
      %add3A_234 = arith.constant 22528 : i32
      %add3A_235 = vector.broadcast %add3A_234 : i32 to vector<16xi32>
      %add3A_236 = arith.addi %get3A_15, %add3A_235 : vector<16xi32>
      %gather3A_237 = tpu.vector_load_idx %arg5[%add3A_236] : memref<65536xf32, #tpu.memory_space<vmem>>[vector<16xi32>], vector<16xf32>,
      %mul3A_238 = arith.constant 16 : i32
      %mul3A_239 = arith.muli %scan3A_12, %mul3A_238 : i32
      %add3A_240 = arith.constant 22528 : i32
      %add3A_241 = arith.addi %add3A_240, %mul3A_239 : i32
      %swap3A_242 = arith.index_cast %add3A_241 : i32 to index
      %swap3A_243 = tpu.vector_load %arg7[%swap3A_242] {strides = array<i32>} : memref<32768xf32, #tpu.memory_space<vmem>>, vector<16xf32>,
      tpu.vector_store %arg7[%swap3A_242], %gather3A_237 {strides = array<i32>} : memref<32768xf32, #tpu.memory_space<vmem>>, vector<16xf32>,
      %add3A_244 = arith.constant 23552 : i32
      %add3A_245 = vector.broadcast %add3A_244 : i32 to vector<16xi32>
      %add3A_246 = arith.addi %get3A_15, %add3A_245 : vector<16xi32>
      %gather3A_247 = tpu.vector_load_idx %arg5[%add3A_246] : memref<65536xf32, #tpu.memory_space<vmem>>[vector<16xi32>], vector<16xf32>,
      %mul3A_248 = arith.constant 16 : i32
      %mul3A_249 = arith.muli %scan3A_12, %mul3A_248 : i32
      %add3A_250 = arith.constant 23552 : i32
      %add3A_251 = arith.addi %add3A_250, %mul3A_249 : i32
      %swap3A_252 = arith.index_cast %add3A_251 : i32 to index
      %swap3A_253 = tpu.vector_load %arg7[%swap3A_252] {strides = array<i32>} : memref<32768xf32, #tpu.memory_space<vmem>>, vector<16xf32>,
      tpu.vector_store %arg7[%swap3A_252], %gather3A_247 {strides = array<i32>} : memref<32768xf32, #tpu.memory_space<vmem>>, vector<16xf32>,
      %add3A_254 = arith.constant 24576 : i32
      %add3A_255 = vector.broadcast %add3A_254 : i32 to vector<16xi32>
      %add3A_256 = arith.addi %get3A_15, %add3A_255 : vector<16xi32>
      %gather3A_257 = tpu.vector_load_idx %arg5[%add3A_256] : memref<65536xf32, #tpu.memory_space<vmem>>[vector<16xi32>], vector<16xf32>,
      %mul3A_258 = arith.constant 16 : i32
      %mul3A_259 = arith.muli %scan3A_12, %mul3A_258 : i32
      %add3A_260 = arith.constant 24576 : i32
      %add3A_261 = arith.addi %add3A_260, %mul3A_259 : i32
      %swap3A_262 = arith.index_cast %add3A_261 : i32 to index
      %swap3A_263 = tpu.vector_load %arg7[%swap3A_262] {strides = array<i32>} : memref<32768xf32, #tpu.memory_space<vmem>>, vector<16xf32>,
      tpu.vector_store %arg7[%swap3A_262], %gather3A_257 {strides = array<i32>} : memref<32768xf32, #tpu.memory_space<vmem>>, vector<16xf32>,
      %add3A_264 = arith.constant 25600 : i32
      %add3A_265 = vector.broadcast %add3A_264 : i32 to vector<16xi32>
      %add3A_266 = arith.addi %get3A_15, %add3A_265 : vector<16xi32>
      %gather3A_267 = tpu.vector_load_idx %arg5[%add3A_266] : memref<65536xf32, #tpu.memory_space<vmem>>[vector<16xi32>], vector<16xf32>,
      %mul3A_268 = arith.constant 16 : i32
      %mul3A_269 = arith.muli %scan3A_12, %mul3A_268 : i32
      %add3A_270 = arith.constant 25600 : i32
      %add3A_271 = arith.addi %add3A_270, %mul3A_269 : i32
      %swap3A_272 = arith.index_cast %add3A_271 : i32 to index
      %swap3A_273 = tpu.vector_load %arg7[%swap3A_272] {strides = array<i32>} : memref<32768xf32, #tpu.memory_space<vmem>>, vector<16xf32>,
      tpu.vector_store %arg7[%swap3A_272], %gather3A_267 {strides = array<i32>} : memref<32768xf32, #tpu.memory_space<vmem>>, vector<16xf32>,
      %add3A_274 = arith.constant 26624 : i32
      %add3A_275 = vector.broadcast %add3A_274 : i32 to vector<16xi32>
      %add3A_276 = arith.addi %get3A_15, %add3A_275 : vector<16xi32>
      %gather3A_277 = tpu.vector_load_idx %arg5[%add3A_276] : memref<65536xf32, #tpu.memory_space<vmem>>[vector<16xi32>], vector<16xf32>,
      %mul3A_278 = arith.constant 16 : i32
      %mul3A_279 = arith.muli %scan3A_12, %mul3A_278 : i32
      %add3A_280 = arith.constant 26624 : i32
      %add3A_281 = arith.addi %add3A_280, %mul3A_279 : i32
      %swap3A_282 = arith.index_cast %add3A_281 : i32 to index
      %swap3A_283 = tpu.vector_load %arg7[%swap3A_282] {strides = array<i32>} : memref<32768xf32, #tpu.memory_space<vmem>>, vector<16xf32>,
      tpu.vector_store %arg7[%swap3A_282], %gather3A_277 {strides = array<i32>} : memref<32768xf32, #tpu.memory_space<vmem>>, vector<16xf32>,
      %add3A_284 = arith.constant 27648 : i32
      %add3A_285 = vector.broadcast %add3A_284 : i32 to vector<16xi32>
      %add3A_286 = arith.addi %get3A_15, %add3A_285 : vector<16xi32>
      %gather3A_287 = tpu.vector_load_idx %arg5[%add3A_286] : memref<65536xf32, #tpu.memory_space<vmem>>[vector<16xi32>], vector<16xf32>,
      %mul3A_288 = arith.constant 16 : i32
      %mul3A_289 = arith.muli %scan3A_12, %mul3A_288 : i32
      %add3A_290 = arith.constant 27648 : i32
      %add3A_291 = arith.addi %add3A_290, %mul3A_289 : i32
      %swap3A_292 = arith.index_cast %add3A_291 : i32 to index
      %swap3A_293 = tpu.vector_load %arg7[%swap3A_292] {strides = array<i32>} : memref<32768xf32, #tpu.memory_space<vmem>>, vector<16xf32>,
      tpu.vector_store %arg7[%swap3A_292], %gather3A_287 {strides = array<i32>} : memref<32768xf32, #tpu.memory_space<vmem>>, vector<16xf32>,
      %add3A_294 = arith.constant 28672 : i32
      %add3A_295 = vector.broadcast %add3A_294 : i32 to vector<16xi32>
      %add3A_296 = arith.addi %get3A_15, %add3A_295 : vector<16xi32>
      %gather3A_297 = tpu.vector_load_idx %arg5[%add3A_296] : memref<65536xf32, #tpu.memory_space<vmem>>[vector<16xi32>], vector<16xf32>,
      %mul3A_298 = arith.constant 16 : i32
      %mul3A_299 = arith.muli %scan3A_12, %mul3A_298 : i32
      %add3A_300 = arith.constant 28672 : i32
      %add3A_301 = arith.addi %add3A_300, %mul3A_299 : i32
      %swap3A_302 = arith.index_cast %add3A_301 : i32 to index
      %swap3A_303 = tpu.vector_load %arg7[%swap3A_302] {strides = array<i32>} : memref<32768xf32, #tpu.memory_space<vmem>>, vector<16xf32>,
      tpu.vector_store %arg7[%swap3A_302], %gather3A_297 {strides = array<i32>} : memref<32768xf32, #tpu.memory_space<vmem>>, vector<16xf32>,
      %add3A_304 = arith.constant 29696 : i32
      %add3A_305 = vector.broadcast %add3A_304 : i32 to vector<16xi32>
      %add3A_306 = arith.addi %get3A_15, %add3A_305 : vector<16xi32>
      %gather3A_307 = tpu.vector_load_idx %arg5[%add3A_306] : memref<65536xf32, #tpu.memory_space<vmem>>[vector<16xi32>], vector<16xf32>,
      %mul3A_308 = arith.constant 16 : i32
      %mul3A_309 = arith.muli %scan3A_12, %mul3A_308 : i32
      %add3A_310 = arith.constant 29696 : i32
      %add3A_311 = arith.addi %add3A_310, %mul3A_309 : i32
      %swap3A_312 = arith.index_cast %add3A_311 : i32 to index
      %swap3A_313 = tpu.vector_load %arg7[%swap3A_312] {strides = array<i32>} : memref<32768xf32, #tpu.memory_space<vmem>>, vector<16xf32>,
      tpu.vector_store %arg7[%swap3A_312], %gather3A_307 {strides = array<i32>} : memref<32768xf32, #tpu.memory_space<vmem>>, vector<16xf32>,
      %add3A_314 = arith.constant 30720 : i32
      %add3A_315 = vector.broadcast %add3A_314 : i32 to vector<16xi32>
      %add3A_316 = arith.addi %get3A_15, %add3A_315 : vector<16xi32>
      %gather3A_317 = tpu.vector_load_idx %arg5[%add3A_316] : memref<65536xf32, #tpu.memory_space<vmem>>[vector<16xi32>], vector<16xf32>,
      %mul3A_318 = arith.constant 16 : i32
      %mul3A_319 = arith.muli %scan3A_12, %mul3A_318 : i32
      %add3A_320 = arith.constant 30720 : i32
      %add3A_321 = arith.addi %add3A_320, %mul3A_319 : i32
      %swap3A_322 = arith.index_cast %add3A_321 : i32 to index
      %swap3A_323 = tpu.vector_load %arg7[%swap3A_322] {strides = array<i32>} : memref<32768xf32, #tpu.memory_space<vmem>>, vector<16xf32>,
      tpu.vector_store %arg7[%swap3A_322], %gather3A_317 {strides = array<i32>} : memref<32768xf32, #tpu.memory_space<vmem>>, vector<16xf32>,
      %add3A_324 = arith.constant 31744 : i32
      %add3A_325 = vector.broadcast %add3A_324 : i32 to vector<16xi32>
      %add3A_326 = arith.addi %get3A_15, %add3A_325 : vector<16xi32>
      %gather3A_327 = tpu.vector_load_idx %arg5[%add3A_326] : memref<65536xf32, #tpu.memory_space<vmem>>[vector<16xi32>], vector<16xf32>,
      %mul3A_328 = arith.constant 16 : i32
      %mul3A_329 = arith.muli %scan3A_12, %mul3A_328 : i32
      %add3A_330 = arith.constant 31744 : i32
      %add3A_331 = arith.addi %add3A_330, %mul3A_329 : i32
      %swap3A_332 = arith.index_cast %add3A_331 : i32 to index
      %swap3A_333 = tpu.vector_load %arg7[%swap3A_332] {strides = array<i32>} : memref<32768xf32, #tpu.memory_space<vmem>>, vector<16xf32>,
      tpu.vector_store %arg7[%swap3A_332], %gather3A_327 {strides = array<i32>} : memref<32768xf32, #tpu.memory_space<vmem>>, vector<16xf32>,
    }
    %scan3A_5 = arith.constant 64 : i32
    "tpu.region"() ({
      %run_scoped3A = tpu.sem_alloc : memref<!tpu.dma_semaphore, #tpu.memory_space<semaphore_mem>>
      %dma_start3A = arith.constant 0 : i32
      %dma_start3A_12 = tpu.memref_slice %arg4[%add3A, %dma_start3A] : memref<32x65536xf32, #tpu.memory_space<hbm>> -> memref<1x32768xf32, #tpu.memory_space<hbm>>
      %dma_start3A_13 = tpu.memref_squeeze %dma_start3A_12 : memref<1x32768xf32, #tpu.memory_space<hbm>> -> memref<32768xf32, #tpu.memory_space<hbm>>
      %dma_start3A_14 = arith.constant 0 : i32
      %dma_start3A_15 = tpu.memref_slice %arg4[%add3A, %dma_start3A_14] : memref<32x65536xf32, #tpu.memory_space<hbm>> -> memref<1x32768xf32, #tpu.memory_space<hbm>>
      %dma_start3A_16 = tpu.memref_squeeze %dma_start3A_15 : memref<1x32768xf32, #tpu.memory_space<hbm>> -> memref<32768xf32, #tpu.memory_space<hbm>>
      tpu.enqueue_dma source(%arg7 : memref<32768xf32, #tpu.memory_space<vmem>>) target(%dma_start3A_16 : memref<32768xf32, #tpu.memory_space<hbm>>) target_semaphore(%run_scoped3A : memref<!tpu.dma_semaphore, #tpu.memory_space<semaphore_mem>>)
      %dma_wait3A = arith.constant 0 : i32
      %dma_wait3A_17 = tpu.memref_slice %arg4[%add3A, %dma_wait3A] : memref<32x65536xf32, #tpu.memory_space<hbm>> -> memref<1x32768xf32, #tpu.memory_space<hbm>>
      %dma_wait3A_18 = tpu.memref_squeeze %dma_wait3A_17 : memref<1x32768xf32, #tpu.memory_space<hbm>> -> memref<32768xf32, #tpu.memory_space<hbm>>
      %dma_wait3A_19 = arith.constant 0 : i32
      %dma_wait3A_20 = tpu.memref_slice %arg4[%add3A, %dma_wait3A_19] : memref<32x65536xf32, #tpu.memory_space<hbm>> -> memref<1x32768xf32, #tpu.memory_space<hbm>>
      %dma_wait3A_21 = tpu.memref_squeeze %dma_wait3A_20 : memref<1x32768xf32, #tpu.memory_space<hbm>> -> memref<32768xf32, #tpu.memory_space<hbm>>
      tpu.wait_dma2 semaphore(%run_scoped3A : memref<!tpu.dma_semaphore, #tpu.memory_space<semaphore_mem>>) src(%arg7 : memref<32768xf32, #tpu.memory_space<vmem>>) dst(%dma_wait3A_21 : memref<32768xf32, #tpu.memory_space<hbm>>)
      tpu.yield
    }) : () -> ()
    %scan3A_6 = arith.constant 0 : i32
    %scan3A_7 = arith.constant 0 : i32
    %scan3A_8 = arith.constant 64 : i32
    %scan3A_9 = arith.addi %scan3A_7, %scan3A_8 : i32
    %scan3A_10 = arith.constant 1 : i32
    scf.for %scan3A_12 = %scan3A_7 to %scan3A_9 step %scan3A_10  : i32 {
      %mul3A_13 = arith.constant 16 : i32
      %mul3A_14 = arith.muli %scan3A_12, %mul3A_13 : i32
      %get3A = arith.index_cast %mul3A_14 : i32 to index
      %get3A_15 = tpu.vector_load %arg6[%get3A] {strides = array<i32>} : memref<1024xi32, #tpu.memory_space<vmem>>, vector<16xi32>,
      %add3A_16 = arith.constant 32768 : i32
      %add3A_17 = vector.broadcast %add3A_16 : i32 to vector<16xi32>
      %add3A_18 = arith.addi %get3A_15, %add3A_17 : vector<16xi32>
      %gather3A = tpu.vector_load_idx %arg5[%add3A_18] : memref<65536xf32, #tpu.memory_space<vmem>>[vector<16xi32>], vector<16xf32>,
      %mul3A_19 = arith.constant 16 : i32
      %mul3A_20 = arith.muli %scan3A_12, %mul3A_19 : i32
      %add3A_21 = arith.constant 0 : i32
      %add3A_22 = arith.addi %add3A_21, %mul3A_20 : i32
      %swap3A = arith.index_cast %add3A_22 : i32 to index
      %swap3A_23 = tpu.vector_load %arg7[%swap3A] {strides = array<i32>} : memref<32768xf32, #tpu.memory_space<vmem>>, vector<16xf32>,
      tpu.vector_store %arg7[%swap3A], %gather3A {strides = array<i32>} : memref<32768xf32, #tpu.memory_space<vmem>>, vector<16xf32>,
      %add3A_24 = arith.constant 33792 : i32
      %add3A_25 = vector.broadcast %add3A_24 : i32 to vector<16xi32>
      %add3A_26 = arith.addi %get3A_15, %add3A_25 : vector<16xi32>
      %gather3A_27 = tpu.vector_load_idx %arg5[%add3A_26] : memref<65536xf32, #tpu.memory_space<vmem>>[vector<16xi32>], vector<16xf32>,
      %mul3A_28 = arith.constant 16 : i32
      %mul3A_29 = arith.muli %scan3A_12, %mul3A_28 : i32
      %add3A_30 = arith.constant 1024 : i32
      %add3A_31 = arith.addi %add3A_30, %mul3A_29 : i32
      %swap3A_32 = arith.index_cast %add3A_31 : i32 to index
      %swap3A_33 = tpu.vector_load %arg7[%swap3A_32] {strides = array<i32>} : memref<32768xf32, #tpu.memory_space<vmem>>, vector<16xf32>,
      tpu.vector_store %arg7[%swap3A_32], %gather3A_27 {strides = array<i32>} : memref<32768xf32, #tpu.memory_space<vmem>>, vector<16xf32>,
      %add3A_34 = arith.constant 34816 : i32
      %add3A_35 = vector.broadcast %add3A_34 : i32 to vector<16xi32>
      %add3A_36 = arith.addi %get3A_15, %add3A_35 : vector<16xi32>
      %gather3A_37 = tpu.vector_load_idx %arg5[%add3A_36] : memref<65536xf32, #tpu.memory_space<vmem>>[vector<16xi32>], vector<16xf32>,
      %mul3A_38 = arith.constant 16 : i32
      %mul3A_39 = arith.muli %scan3A_12, %mul3A_38 : i32
      %add3A_40 = arith.constant 2048 : i32
      %add3A_41 = arith.addi %add3A_40, %mul3A_39 : i32
      %swap3A_42 = arith.index_cast %add3A_41 : i32 to index
      %swap3A_43 = tpu.vector_load %arg7[%swap3A_42] {strides = array<i32>} : memref<32768xf32, #tpu.memory_space<vmem>>, vector<16xf32>,
      tpu.vector_store %arg7[%swap3A_42], %gather3A_37 {strides = array<i32>} : memref<32768xf32, #tpu.memory_space<vmem>>, vector<16xf32>,
      %add3A_44 = arith.constant 35840 : i32
      %add3A_45 = vector.broadcast %add3A_44 : i32 to vector<16xi32>
      %add3A_46 = arith.addi %get3A_15, %add3A_45 : vector<16xi32>
      %gather3A_47 = tpu.vector_load_idx %arg5[%add3A_46] : memref<65536xf32, #tpu.memory_space<vmem>>[vector<16xi32>], vector<16xf32>,
      %mul3A_48 = arith.constant 16 : i32
      %mul3A_49 = arith.muli %scan3A_12, %mul3A_48 : i32
      %add3A_50 = arith.constant 3072 : i32
      %add3A_51 = arith.addi %add3A_50, %mul3A_49 : i32
      %swap3A_52 = arith.index_cast %add3A_51 : i32 to index
      %swap3A_53 = tpu.vector_load %arg7[%swap3A_52] {strides = array<i32>} : memref<32768xf32, #tpu.memory_space<vmem>>, vector<16xf32>,
      tpu.vector_store %arg7[%swap3A_52], %gather3A_47 {strides = array<i32>} : memref<32768xf32, #tpu.memory_space<vmem>>, vector<16xf32>,
      %add3A_54 = arith.constant 36864 : i32
      %add3A_55 = vector.broadcast %add3A_54 : i32 to vector<16xi32>
      %add3A_56 = arith.addi %get3A_15, %add3A_55 : vector<16xi32>
      %gather3A_57 = tpu.vector_load_idx %arg5[%add3A_56] : memref<65536xf32, #tpu.memory_space<vmem>>[vector<16xi32>], vector<16xf32>,
      %mul3A_58 = arith.constant 16 : i32
      %mul3A_59 = arith.muli %scan3A_12, %mul3A_58 : i32
      %add3A_60 = arith.constant 4096 : i32
      %add3A_61 = arith.addi %add3A_60, %mul3A_59 : i32
      %swap3A_62 = arith.index_cast %add3A_61 : i32 to index
      %swap3A_63 = tpu.vector_load %arg7[%swap3A_62] {strides = array<i32>} : memref<32768xf32, #tpu.memory_space<vmem>>, vector<16xf32>,
      tpu.vector_store %arg7[%swap3A_62], %gather3A_57 {strides = array<i32>} : memref<32768xf32, #tpu.memory_space<vmem>>, vector<16xf32>,
      %add3A_64 = arith.constant 37888 : i32
      %add3A_65 = vector.broadcast %add3A_64 : i32 to vector<16xi32>
      %add3A_66 = arith.addi %get3A_15, %add3A_65 : vector<16xi32>
      %gather3A_67 = tpu.vector_load_idx %arg5[%add3A_66] : memref<65536xf32, #tpu.memory_space<vmem>>[vector<16xi32>], vector<16xf32>,
      %mul3A_68 = arith.constant 16 : i32
      %mul3A_69 = arith.muli %scan3A_12, %mul3A_68 : i32
      %add3A_70 = arith.constant 5120 : i32
      %add3A_71 = arith.addi %add3A_70, %mul3A_69 : i32
      %swap3A_72 = arith.index_cast %add3A_71 : i32 to index
      %swap3A_73 = tpu.vector_load %arg7[%swap3A_72] {strides = array<i32>} : memref<32768xf32, #tpu.memory_space<vmem>>, vector<16xf32>,
      tpu.vector_store %arg7[%swap3A_72], %gather3A_67 {strides = array<i32>} : memref<32768xf32, #tpu.memory_space<vmem>>, vector<16xf32>,
      %add3A_74 = arith.constant 38912 : i32
      %add3A_75 = vector.broadcast %add3A_74 : i32 to vector<16xi32>
      %add3A_76 = arith.addi %get3A_15, %add3A_75 : vector<16xi32>
      %gather3A_77 = tpu.vector_load_idx %arg5[%add3A_76] : memref<65536xf32, #tpu.memory_space<vmem>>[vector<16xi32>], vector<16xf32>,
      %mul3A_78 = arith.constant 16 : i32
      %mul3A_79 = arith.muli %scan3A_12, %mul3A_78 : i32
      %add3A_80 = arith.constant 6144 : i32
      %add3A_81 = arith.addi %add3A_80, %mul3A_79 : i32
      %swap3A_82 = arith.index_cast %add3A_81 : i32 to index
      %swap3A_83 = tpu.vector_load %arg7[%swap3A_82] {strides = array<i32>} : memref<32768xf32, #tpu.memory_space<vmem>>, vector<16xf32>,
      tpu.vector_store %arg7[%swap3A_82], %gather3A_77 {strides = array<i32>} : memref<32768xf32, #tpu.memory_space<vmem>>, vector<16xf32>,
      %add3A_84 = arith.constant 39936 : i32
      %add3A_85 = vector.broadcast %add3A_84 : i32 to vector<16xi32>
      %add3A_86 = arith.addi %get3A_15, %add3A_85 : vector<16xi32>
      %gather3A_87 = tpu.vector_load_idx %arg5[%add3A_86] : memref<65536xf32, #tpu.memory_space<vmem>>[vector<16xi32>], vector<16xf32>,
      %mul3A_88 = arith.constant 16 : i32
      %mul3A_89 = arith.muli %scan3A_12, %mul3A_88 : i32
      %add3A_90 = arith.constant 7168 : i32
      %add3A_91 = arith.addi %add3A_90, %mul3A_89 : i32
      %swap3A_92 = arith.index_cast %add3A_91 : i32 to index
      %swap3A_93 = tpu.vector_load %arg7[%swap3A_92] {strides = array<i32>} : memref<32768xf32, #tpu.memory_space<vmem>>, vector<16xf32>,
      tpu.vector_store %arg7[%swap3A_92], %gather3A_87 {strides = array<i32>} : memref<32768xf32, #tpu.memory_space<vmem>>, vector<16xf32>,
      %add3A_94 = arith.constant 40960 : i32
      %add3A_95 = vector.broadcast %add3A_94 : i32 to vector<16xi32>
      %add3A_96 = arith.addi %get3A_15, %add3A_95 : vector<16xi32>
      %gather3A_97 = tpu.vector_load_idx %arg5[%add3A_96] : memref<65536xf32, #tpu.memory_space<vmem>>[vector<16xi32>], vector<16xf32>,
      %mul3A_98 = arith.constant 16 : i32
      %mul3A_99 = arith.muli %scan3A_12, %mul3A_98 : i32
      %add3A_100 = arith.constant 8192 : i32
      %add3A_101 = arith.addi %add3A_100, %mul3A_99 : i32
      %swap3A_102 = arith.index_cast %add3A_101 : i32 to index
      %swap3A_103 = tpu.vector_load %arg7[%swap3A_102] {strides = array<i32>} : memref<32768xf32, #tpu.memory_space<vmem>>, vector<16xf32>,
      tpu.vector_store %arg7[%swap3A_102], %gather3A_97 {strides = array<i32>} : memref<32768xf32, #tpu.memory_space<vmem>>, vector<16xf32>,
      %add3A_104 = arith.constant 41984 : i32
      %add3A_105 = vector.broadcast %add3A_104 : i32 to vector<16xi32>
      %add3A_106 = arith.addi %get3A_15, %add3A_105 : vector<16xi32>
      %gather3A_107 = tpu.vector_load_idx %arg5[%add3A_106] : memref<65536xf32, #tpu.memory_space<vmem>>[vector<16xi32>], vector<16xf32>,
      %mul3A_108 = arith.constant 16 : i32
      %mul3A_109 = arith.muli %scan3A_12, %mul3A_108 : i32
      %add3A_110 = arith.constant 9216 : i32
      %add3A_111 = arith.addi %add3A_110, %mul3A_109 : i32
      %swap3A_112 = arith.index_cast %add3A_111 : i32 to index
      %swap3A_113 = tpu.vector_load %arg7[%swap3A_112] {strides = array<i32>} : memref<32768xf32, #tpu.memory_space<vmem>>, vector<16xf32>,
      tpu.vector_store %arg7[%swap3A_112], %gather3A_107 {strides = array<i32>} : memref<32768xf32, #tpu.memory_space<vmem>>, vector<16xf32>,
      %add3A_114 = arith.constant 43008 : i32
      %add3A_115 = vector.broadcast %add3A_114 : i32 to vector<16xi32>
      %add3A_116 = arith.addi %get3A_15, %add3A_115 : vector<16xi32>
      %gather3A_117 = tpu.vector_load_idx %arg5[%add3A_116] : memref<65536xf32, #tpu.memory_space<vmem>>[vector<16xi32>], vector<16xf32>,
      %mul3A_118 = arith.constant 16 : i32
      %mul3A_119 = arith.muli %scan3A_12, %mul3A_118 : i32
      %add3A_120 = arith.constant 10240 : i32
      %add3A_121 = arith.addi %add3A_120, %mul3A_119 : i32
      %swap3A_122 = arith.index_cast %add3A_121 : i32 to index
      %swap3A_123 = tpu.vector_load %arg7[%swap3A_122] {strides = array<i32>} : memref<32768xf32, #tpu.memory_space<vmem>>, vector<16xf32>,
      tpu.vector_store %arg7[%swap3A_122], %gather3A_117 {strides = array<i32>} : memref<32768xf32, #tpu.memory_space<vmem>>, vector<16xf32>,
      %add3A_124 = arith.constant 44032 : i32
      %add3A_125 = vector.broadcast %add3A_124 : i32 to vector<16xi32>
      %add3A_126 = arith.addi %get3A_15, %add3A_125 : vector<16xi32>
      %gather3A_127 = tpu.vector_load_idx %arg5[%add3A_126] : memref<65536xf32, #tpu.memory_space<vmem>>[vector<16xi32>], vector<16xf32>,
      %mul3A_128 = arith.constant 16 : i32
      %mul3A_129 = arith.muli %scan3A_12, %mul3A_128 : i32
      %add3A_130 = arith.constant 11264 : i32
      %add3A_131 = arith.addi %add3A_130, %mul3A_129 : i32
      %swap3A_132 = arith.index_cast %add3A_131 : i32 to index
      %swap3A_133 = tpu.vector_load %arg7[%swap3A_132] {strides = array<i32>} : memref<32768xf32, #tpu.memory_space<vmem>>, vector<16xf32>,
      tpu.vector_store %arg7[%swap3A_132], %gather3A_127 {strides = array<i32>} : memref<32768xf32, #tpu.memory_space<vmem>>, vector<16xf32>,
      %add3A_134 = arith.constant 45056 : i32
      %add3A_135 = vector.broadcast %add3A_134 : i32 to vector<16xi32>
      %add3A_136 = arith.addi %get3A_15, %add3A_135 : vector<16xi32>
      %gather3A_137 = tpu.vector_load_idx %arg5[%add3A_136] : memref<65536xf32, #tpu.memory_space<vmem>>[vector<16xi32>], vector<16xf32>,
      %mul3A_138 = arith.constant 16 : i32
      %mul3A_139 = arith.muli %scan3A_12, %mul3A_138 : i32
      %add3A_140 = arith.constant 12288 : i32
      %add3A_141 = arith.addi %add3A_140, %mul3A_139 : i32
      %swap3A_142 = arith.index_cast %add3A_141 : i32 to index
      %swap3A_143 = tpu.vector_load %arg7[%swap3A_142] {strides = array<i32>} : memref<32768xf32, #tpu.memory_space<vmem>>, vector<16xf32>,
      tpu.vector_store %arg7[%swap3A_142], %gather3A_137 {strides = array<i32>} : memref<32768xf32, #tpu.memory_space<vmem>>, vector<16xf32>,
      %add3A_144 = arith.constant 46080 : i32
      %add3A_145 = vector.broadcast %add3A_144 : i32 to vector<16xi32>
      %add3A_146 = arith.addi %get3A_15, %add3A_145 : vector<16xi32>
      %gather3A_147 = tpu.vector_load_idx %arg5[%add3A_146] : memref<65536xf32, #tpu.memory_space<vmem>>[vector<16xi32>], vector<16xf32>,
      %mul3A_148 = arith.constant 16 : i32
      %mul3A_149 = arith.muli %scan3A_12, %mul3A_148 : i32
      %add3A_150 = arith.constant 13312 : i32
      %add3A_151 = arith.addi %add3A_150, %mul3A_149 : i32
      %swap3A_152 = arith.index_cast %add3A_151 : i32 to index
      %swap3A_153 = tpu.vector_load %arg7[%swap3A_152] {strides = array<i32>} : memref<32768xf32, #tpu.memory_space<vmem>>, vector<16xf32>,
      tpu.vector_store %arg7[%swap3A_152], %gather3A_147 {strides = array<i32>} : memref<32768xf32, #tpu.memory_space<vmem>>, vector<16xf32>,
      %add3A_154 = arith.constant 47104 : i32
      %add3A_155 = vector.broadcast %add3A_154 : i32 to vector<16xi32>
      %add3A_156 = arith.addi %get3A_15, %add3A_155 : vector<16xi32>
      %gather3A_157 = tpu.vector_load_idx %arg5[%add3A_156] : memref<65536xf32, #tpu.memory_space<vmem>>[vector<16xi32>], vector<16xf32>,
      %mul3A_158 = arith.constant 16 : i32
      %mul3A_159 = arith.muli %scan3A_12, %mul3A_158 : i32
      %add3A_160 = arith.constant 14336 : i32
      %add3A_161 = arith.addi %add3A_160, %mul3A_159 : i32
      %swap3A_162 = arith.index_cast %add3A_161 : i32 to index
      %swap3A_163 = tpu.vector_load %arg7[%swap3A_162] {strides = array<i32>} : memref<32768xf32, #tpu.memory_space<vmem>>, vector<16xf32>,
      tpu.vector_store %arg7[%swap3A_162], %gather3A_157 {strides = array<i32>} : memref<32768xf32, #tpu.memory_space<vmem>>, vector<16xf32>,
      %add3A_164 = arith.constant 48128 : i32
      %add3A_165 = vector.broadcast %add3A_164 : i32 to vector<16xi32>
      %add3A_166 = arith.addi %get3A_15, %add3A_165 : vector<16xi32>
      %gather3A_167 = tpu.vector_load_idx %arg5[%add3A_166] : memref<65536xf32, #tpu.memory_space<vmem>>[vector<16xi32>], vector<16xf32>,
      %mul3A_168 = arith.constant 16 : i32
      %mul3A_169 = arith.muli %scan3A_12, %mul3A_168 : i32
      %add3A_170 = arith.constant 15360 : i32
      %add3A_171 = arith.addi %add3A_170, %mul3A_169 : i32
      %swap3A_172 = arith.index_cast %add3A_171 : i32 to index
      %swap3A_173 = tpu.vector_load %arg7[%swap3A_172] {strides = array<i32>} : memref<32768xf32, #tpu.memory_space<vmem>>, vector<16xf32>,
      tpu.vector_store %arg7[%swap3A_172], %gather3A_167 {strides = array<i32>} : memref<32768xf32, #tpu.memory_space<vmem>>, vector<16xf32>,
      %add3A_174 = arith.constant 49152 : i32
      %add3A_175 = vector.broadcast %add3A_174 : i32 to vector<16xi32>
      %add3A_176 = arith.addi %get3A_15, %add3A_175 : vector<16xi32>
      %gather3A_177 = tpu.vector_load_idx %arg5[%add3A_176] : memref<65536xf32, #tpu.memory_space<vmem>>[vector<16xi32>], vector<16xf32>,
      %mul3A_178 = arith.constant 16 : i32
      %mul3A_179 = arith.muli %scan3A_12, %mul3A_178 : i32
      %add3A_180 = arith.constant 16384 : i32
      %add3A_181 = arith.addi %add3A_180, %mul3A_179 : i32
      %swap3A_182 = arith.index_cast %add3A_181 : i32 to index
      %swap3A_183 = tpu.vector_load %arg7[%swap3A_182] {strides = array<i32>} : memref<32768xf32, #tpu.memory_space<vmem>>, vector<16xf32>,
      tpu.vector_store %arg7[%swap3A_182], %gather3A_177 {strides = array<i32>} : memref<32768xf32, #tpu.memory_space<vmem>>, vector<16xf32>,
      %add3A_184 = arith.constant 50176 : i32
      %add3A_185 = vector.broadcast %add3A_184 : i32 to vector<16xi32>
      %add3A_186 = arith.addi %get3A_15, %add3A_185 : vector<16xi32>
      %gather3A_187 = tpu.vector_load_idx %arg5[%add3A_186] : memref<65536xf32, #tpu.memory_space<vmem>>[vector<16xi32>], vector<16xf32>,
      %mul3A_188 = arith.constant 16 : i32
      %mul3A_189 = arith.muli %scan3A_12, %mul3A_188 : i32
      %add3A_190 = arith.constant 17408 : i32
      %add3A_191 = arith.addi %add3A_190, %mul3A_189 : i32
      %swap3A_192 = arith.index_cast %add3A_191 : i32 to index
      %swap3A_193 = tpu.vector_load %arg7[%swap3A_192] {strides = array<i32>} : memref<32768xf32, #tpu.memory_space<vmem>>, vector<16xf32>,
      tpu.vector_store %arg7[%swap3A_192], %gather3A_187 {strides = array<i32>} : memref<32768xf32, #tpu.memory_space<vmem>>, vector<16xf32>,
      %add3A_194 = arith.constant 51200 : i32
      %add3A_195 = vector.broadcast %add3A_194 : i32 to vector<16xi32>
      %add3A_196 = arith.addi %get3A_15, %add3A_195 : vector<16xi32>
      %gather3A_197 = tpu.vector_load_idx %arg5[%add3A_196] : memref<65536xf32, #tpu.memory_space<vmem>>[vector<16xi32>], vector<16xf32>,
      %mul3A_198 = arith.constant 16 : i32
      %mul3A_199 = arith.muli %scan3A_12, %mul3A_198 : i32
      %add3A_200 = arith.constant 18432 : i32
      %add3A_201 = arith.addi %add3A_200, %mul3A_199 : i32
      %swap3A_202 = arith.index_cast %add3A_201 : i32 to index
      %swap3A_203 = tpu.vector_load %arg7[%swap3A_202] {strides = array<i32>} : memref<32768xf32, #tpu.memory_space<vmem>>, vector<16xf32>,
      tpu.vector_store %arg7[%swap3A_202], %gather3A_197 {strides = array<i32>} : memref<32768xf32, #tpu.memory_space<vmem>>, vector<16xf32>,
      %add3A_204 = arith.constant 52224 : i32
      %add3A_205 = vector.broadcast %add3A_204 : i32 to vector<16xi32>
      %add3A_206 = arith.addi %get3A_15, %add3A_205 : vector<16xi32>
      %gather3A_207 = tpu.vector_load_idx %arg5[%add3A_206] : memref<65536xf32, #tpu.memory_space<vmem>>[vector<16xi32>], vector<16xf32>,
      %mul3A_208 = arith.constant 16 : i32
      %mul3A_209 = arith.muli %scan3A_12, %mul3A_208 : i32
      %add3A_210 = arith.constant 19456 : i32
      %add3A_211 = arith.addi %add3A_210, %mul3A_209 : i32
      %swap3A_212 = arith.index_cast %add3A_211 : i32 to index
      %swap3A_213 = tpu.vector_load %arg7[%swap3A_212] {strides = array<i32>} : memref<32768xf32, #tpu.memory_space<vmem>>, vector<16xf32>,
      tpu.vector_store %arg7[%swap3A_212], %gather3A_207 {strides = array<i32>} : memref<32768xf32, #tpu.memory_space<vmem>>, vector<16xf32>,
      %add3A_214 = arith.constant 53248 : i32
      %add3A_215 = vector.broadcast %add3A_214 : i32 to vector<16xi32>
      %add3A_216 = arith.addi %get3A_15, %add3A_215 : vector<16xi32>
      %gather3A_217 = tpu.vector_load_idx %arg5[%add3A_216] : memref<65536xf32, #tpu.memory_space<vmem>>[vector<16xi32>], vector<16xf32>,
      %mul3A_218 = arith.constant 16 : i32
      %mul3A_219 = arith.muli %scan3A_12, %mul3A_218 : i32
      %add3A_220 = arith.constant 20480 : i32
      %add3A_221 = arith.addi %add3A_220, %mul3A_219 : i32
      %swap3A_222 = arith.index_cast %add3A_221 : i32 to index
      %swap3A_223 = tpu.vector_load %arg7[%swap3A_222] {strides = array<i32>} : memref<32768xf32, #tpu.memory_space<vmem>>, vector<16xf32>,
      tpu.vector_store %arg7[%swap3A_222], %gather3A_217 {strides = array<i32>} : memref<32768xf32, #tpu.memory_space<vmem>>, vector<16xf32>,
      %add3A_224 = arith.constant 54272 : i32
      %add3A_225 = vector.broadcast %add3A_224 : i32 to vector<16xi32>
      %add3A_226 = arith.addi %get3A_15, %add3A_225 : vector<16xi32>
      %gather3A_227 = tpu.vector_load_idx %arg5[%add3A_226] : memref<65536xf32, #tpu.memory_space<vmem>>[vector<16xi32>], vector<16xf32>,
      %mul3A_228 = arith.constant 16 : i32
      %mul3A_229 = arith.muli %scan3A_12, %mul3A_228 : i32
      %add3A_230 = arith.constant 21504 : i32
      %add3A_231 = arith.addi %add3A_230, %mul3A_229 : i32
      %swap3A_232 = arith.index_cast %add3A_231 : i32 to index
      %swap3A_233 = tpu.vector_load %arg7[%swap3A_232] {strides = array<i32>} : memref<32768xf32, #tpu.memory_space<vmem>>, vector<16xf32>,
      tpu.vector_store %arg7[%swap3A_232], %gather3A_227 {strides = array<i32>} : memref<32768xf32, #tpu.memory_space<vmem>>, vector<16xf32>,
      %add3A_234 = arith.constant 55296 : i32
      %add3A_235 = vector.broadcast %add3A_234 : i32 to vector<16xi32>
      %add3A_236 = arith.addi %get3A_15, %add3A_235 : vector<16xi32>
      %gather3A_237 = tpu.vector_load_idx %arg5[%add3A_236] : memref<65536xf32, #tpu.memory_space<vmem>>[vector<16xi32>], vector<16xf32>,
      %mul3A_238 = arith.constant 16 : i32
      %mul3A_239 = arith.muli %scan3A_12, %mul3A_238 : i32
      %add3A_240 = arith.constant 22528 : i32
      %add3A_241 = arith.addi %add3A_240, %mul3A_239 : i32
      %swap3A_242 = arith.index_cast %add3A_241 : i32 to index
      %swap3A_243 = tpu.vector_load %arg7[%swap3A_242] {strides = array<i32>} : memref<32768xf32, #tpu.memory_space<vmem>>, vector<16xf32>,
      tpu.vector_store %arg7[%swap3A_242], %gather3A_237 {strides = array<i32>} : memref<32768xf32, #tpu.memory_space<vmem>>, vector<16xf32>,
      %add3A_244 = arith.constant 56320 : i32
      %add3A_245 = vector.broadcast %add3A_244 : i32 to vector<16xi32>
      %add3A_246 = arith.addi %get3A_15, %add3A_245 : vector<16xi32>
      %gather3A_247 = tpu.vector_load_idx %arg5[%add3A_246] : memref<65536xf32, #tpu.memory_space<vmem>>[vector<16xi32>], vector<16xf32>,
      %mul3A_248 = arith.constant 16 : i32
      %mul3A_249 = arith.muli %scan3A_12, %mul3A_248 : i32
      %add3A_250 = arith.constant 23552 : i32
      %add3A_251 = arith.addi %add3A_250, %mul3A_249 : i32
      %swap3A_252 = arith.index_cast %add3A_251 : i32 to index
      %swap3A_253 = tpu.vector_load %arg7[%swap3A_252] {strides = array<i32>} : memref<32768xf32, #tpu.memory_space<vmem>>, vector<16xf32>,
      tpu.vector_store %arg7[%swap3A_252], %gather3A_247 {strides = array<i32>} : memref<32768xf32, #tpu.memory_space<vmem>>, vector<16xf32>,
      %add3A_254 = arith.constant 57344 : i32
      %add3A_255 = vector.broadcast %add3A_254 : i32 to vector<16xi32>
      %add3A_256 = arith.addi %get3A_15, %add3A_255 : vector<16xi32>
      %gather3A_257 = tpu.vector_load_idx %arg5[%add3A_256] : memref<65536xf32, #tpu.memory_space<vmem>>[vector<16xi32>], vector<16xf32>,
      %mul3A_258 = arith.constant 16 : i32
      %mul3A_259 = arith.muli %scan3A_12, %mul3A_258 : i32
      %add3A_260 = arith.constant 24576 : i32
      %add3A_261 = arith.addi %add3A_260, %mul3A_259 : i32
      %swap3A_262 = arith.index_cast %add3A_261 : i32 to index
      %swap3A_263 = tpu.vector_load %arg7[%swap3A_262] {strides = array<i32>} : memref<32768xf32, #tpu.memory_space<vmem>>, vector<16xf32>,
      tpu.vector_store %arg7[%swap3A_262], %gather3A_257 {strides = array<i32>} : memref<32768xf32, #tpu.memory_space<vmem>>, vector<16xf32>,
      %add3A_264 = arith.constant 58368 : i32
      %add3A_265 = vector.broadcast %add3A_264 : i32 to vector<16xi32>
      %add3A_266 = arith.addi %get3A_15, %add3A_265 : vector<16xi32>
      %gather3A_267 = tpu.vector_load_idx %arg5[%add3A_266] : memref<65536xf32, #tpu.memory_space<vmem>>[vector<16xi32>], vector<16xf32>,
      %mul3A_268 = arith.constant 16 : i32
      %mul3A_269 = arith.muli %scan3A_12, %mul3A_268 : i32
      %add3A_270 = arith.constant 25600 : i32
      %add3A_271 = arith.addi %add3A_270, %mul3A_269 : i32
      %swap3A_272 = arith.index_cast %add3A_271 : i32 to index
      %swap3A_273 = tpu.vector_load %arg7[%swap3A_272] {strides = array<i32>} : memref<32768xf32, #tpu.memory_space<vmem>>, vector<16xf32>,
      tpu.vector_store %arg7[%swap3A_272], %gather3A_267 {strides = array<i32>} : memref<32768xf32, #tpu.memory_space<vmem>>, vector<16xf32>,
      %add3A_274 = arith.constant 59392 : i32
      %add3A_275 = vector.broadcast %add3A_274 : i32 to vector<16xi32>
      %add3A_276 = arith.addi %get3A_15, %add3A_275 : vector<16xi32>
      %gather3A_277 = tpu.vector_load_idx %arg5[%add3A_276] : memref<65536xf32, #tpu.memory_space<vmem>>[vector<16xi32>], vector<16xf32>,
      %mul3A_278 = arith.constant 16 : i32
      %mul3A_279 = arith.muli %scan3A_12, %mul3A_278 : i32
      %add3A_280 = arith.constant 26624 : i32
      %add3A_281 = arith.addi %add3A_280, %mul3A_279 : i32
      %swap3A_282 = arith.index_cast %add3A_281 : i32 to index
      %swap3A_283 = tpu.vector_load %arg7[%swap3A_282] {strides = array<i32>} : memref<32768xf32, #tpu.memory_space<vmem>>, vector<16xf32>,
      tpu.vector_store %arg7[%swap3A_282], %gather3A_277 {strides = array<i32>} : memref<32768xf32, #tpu.memory_space<vmem>>, vector<16xf32>,
      %add3A_284 = arith.constant 60416 : i32
      %add3A_285 = vector.broadcast %add3A_284 : i32 to vector<16xi32>
      %add3A_286 = arith.addi %get3A_15, %add3A_285 : vector<16xi32>
      %gather3A_287 = tpu.vector_load_idx %arg5[%add3A_286] : memref<65536xf32, #tpu.memory_space<vmem>>[vector<16xi32>], vector<16xf32>,
      %mul3A_288 = arith.constant 16 : i32
      %mul3A_289 = arith.muli %scan3A_12, %mul3A_288 : i32
      %add3A_290 = arith.constant 27648 : i32
      %add3A_291 = arith.addi %add3A_290, %mul3A_289 : i32
      %swap3A_292 = arith.index_cast %add3A_291 : i32 to index
      %swap3A_293 = tpu.vector_load %arg7[%swap3A_292] {strides = array<i32>} : memref<32768xf32, #tpu.memory_space<vmem>>, vector<16xf32>,
      tpu.vector_store %arg7[%swap3A_292], %gather3A_287 {strides = array<i32>} : memref<32768xf32, #tpu.memory_space<vmem>>, vector<16xf32>,
      %add3A_294 = arith.constant 61440 : i32
      %add3A_295 = vector.broadcast %add3A_294 : i32 to vector<16xi32>
      %add3A_296 = arith.addi %get3A_15, %add3A_295 : vector<16xi32>
      %gather3A_297 = tpu.vector_load_idx %arg5[%add3A_296] : memref<65536xf32, #tpu.memory_space<vmem>>[vector<16xi32>], vector<16xf32>,
      %mul3A_298 = arith.constant 16 : i32
      %mul3A_299 = arith.muli %scan3A_12, %mul3A_298 : i32
      %add3A_300 = arith.constant 28672 : i32
      %add3A_301 = arith.addi %add3A_300, %mul3A_299 : i32
      %swap3A_302 = arith.index_cast %add3A_301 : i32 to index
      %swap3A_303 = tpu.vector_load %arg7[%swap3A_302] {strides = array<i32>} : memref<32768xf32, #tpu.memory_space<vmem>>, vector<16xf32>,
      tpu.vector_store %arg7[%swap3A_302], %gather3A_297 {strides = array<i32>} : memref<32768xf32, #tpu.memory_space<vmem>>, vector<16xf32>,
      %add3A_304 = arith.constant 62464 : i32
      %add3A_305 = vector.broadcast %add3A_304 : i32 to vector<16xi32>
      %add3A_306 = arith.addi %get3A_15, %add3A_305 : vector<16xi32>
      %gather3A_307 = tpu.vector_load_idx %arg5[%add3A_306] : memref<65536xf32, #tpu.memory_space<vmem>>[vector<16xi32>], vector<16xf32>,
      %mul3A_308 = arith.constant 16 : i32
      %mul3A_309 = arith.muli %scan3A_12, %mul3A_308 : i32
      %add3A_310 = arith.constant 29696 : i32
      %add3A_311 = arith.addi %add3A_310, %mul3A_309 : i32
      %swap3A_312 = arith.index_cast %add3A_311 : i32 to index
      %swap3A_313 = tpu.vector_load %arg7[%swap3A_312] {strides = array<i32>} : memref<32768xf32, #tpu.memory_space<vmem>>, vector<16xf32>,
      tpu.vector_store %arg7[%swap3A_312], %gather3A_307 {strides = array<i32>} : memref<32768xf32, #tpu.memory_space<vmem>>, vector<16xf32>,
      %add3A_314 = arith.constant 63488 : i32
      %add3A_315 = vector.broadcast %add3A_314 : i32 to vector<16xi32>
      %add3A_316 = arith.addi %get3A_15, %add3A_315 : vector<16xi32>
      %gather3A_317 = tpu.vector_load_idx %arg5[%add3A_316] : memref<65536xf32, #tpu.memory_space<vmem>>[vector<16xi32>], vector<16xf32>,
      %mul3A_318 = arith.constant 16 : i32
      %mul3A_319 = arith.muli %scan3A_12, %mul3A_318 : i32
      %add3A_320 = arith.constant 30720 : i32
      %add3A_321 = arith.addi %add3A_320, %mul3A_319 : i32
      %swap3A_322 = arith.index_cast %add3A_321 : i32 to index
      %swap3A_323 = tpu.vector_load %arg7[%swap3A_322] {strides = array<i32>} : memref<32768xf32, #tpu.memory_space<vmem>>, vector<16xf32>,
      tpu.vector_store %arg7[%swap3A_322], %gather3A_317 {strides = array<i32>} : memref<32768xf32, #tpu.memory_space<vmem>>, vector<16xf32>,
      %add3A_324 = arith.constant 64512 : i32
      %add3A_325 = vector.broadcast %add3A_324 : i32 to vector<16xi32>
      %add3A_326 = arith.addi %get3A_15, %add3A_325 : vector<16xi32>
      %gather3A_327 = tpu.vector_load_idx %arg5[%add3A_326] : memref<65536xf32, #tpu.memory_space<vmem>>[vector<16xi32>], vector<16xf32>,
      %mul3A_328 = arith.constant 16 : i32
      %mul3A_329 = arith.muli %scan3A_12, %mul3A_328 : i32
      %add3A_330 = arith.constant 31744 : i32
      %add3A_331 = arith.addi %add3A_330, %mul3A_329 : i32
      %swap3A_332 = arith.index_cast %add3A_331 : i32 to index
      %swap3A_333 = tpu.vector_load %arg7[%swap3A_332] {strides = array<i32>} : memref<32768xf32, #tpu.memory_space<vmem>>, vector<16xf32>,
      tpu.vector_store %arg7[%swap3A_332], %gather3A_327 {strides = array<i32>} : memref<32768xf32, #tpu.memory_space<vmem>>, vector<16xf32>,
    }
    %scan3A_11 = arith.constant 64 : i32
    "tpu.region"() ({
      %run_scoped3A = tpu.sem_alloc : memref<!tpu.dma_semaphore, #tpu.memory_space<semaphore_mem>>
      %dma_start3A = arith.constant 32768 : i32
      %dma_start3A_12 = tpu.memref_slice %arg4[%add3A, %dma_start3A] : memref<32x65536xf32, #tpu.memory_space<hbm>> -> memref<1x32768xf32, #tpu.memory_space<hbm>>
      %dma_start3A_13 = tpu.memref_squeeze %dma_start3A_12 : memref<1x32768xf32, #tpu.memory_space<hbm>> -> memref<32768xf32, #tpu.memory_space<hbm>>
      %dma_start3A_14 = arith.constant 32768 : i32
      %dma_start3A_15 = tpu.memref_slice %arg4[%add3A, %dma_start3A_14] : memref<32x65536xf32, #tpu.memory_space<hbm>> -> memref<1x32768xf32, #tpu.memory_space<hbm>>
      %dma_start3A_16 = tpu.memref_squeeze %dma_start3A_15 : memref<1x32768xf32, #tpu.memory_space<hbm>> -> memref<32768xf32, #tpu.memory_space<hbm>>
      tpu.enqueue_dma source(%arg7 : memref<32768xf32, #tpu.memory_space<vmem>>) target(%dma_start3A_16 : memref<32768xf32, #tpu.memory_space<hbm>>) target_semaphore(%run_scoped3A : memref<!tpu.dma_semaphore, #tpu.memory_space<semaphore_mem>>)
      %dma_wait3A = arith.constant 32768 : i32
      %dma_wait3A_17 = tpu.memref_slice %arg4[%add3A, %dma_wait3A] : memref<32x65536xf32, #tpu.memory_space<hbm>> -> memref<1x32768xf32, #tpu.memory_space<hbm>>
      %dma_wait3A_18 = tpu.memref_squeeze %dma_wait3A_17 : memref<1x32768xf32, #tpu.memory_space<hbm>> -> memref<32768xf32, #tpu.memory_space<hbm>>
      %dma_wait3A_19 = arith.constant 32768 : i32
      %dma_wait3A_20 = tpu.memref_slice %arg4[%add3A, %dma_wait3A_19] : memref<32x65536xf32, #tpu.memory_space<hbm>> -> memref<1x32768xf32, #tpu.memory_space<hbm>>
      %dma_wait3A_21 = tpu.memref_squeeze %dma_wait3A_20 : memref<1x32768xf32, #tpu.memory_space<hbm>> -> memref<32768xf32, #tpu.memory_space<hbm>>
      tpu.wait_dma2 semaphore(%run_scoped3A : memref<!tpu.dma_semaphore, #tpu.memory_space<semaphore_mem>>) src(%arg7 : memref<32768xf32, #tpu.memory_space<vmem>>) dst(%dma_wait3A_21 : memref<32768xf32, #tpu.memory_space<hbm>>)
      tpu.yield
    }) : () -> ()
    return
  }
}

module attributes {stable_mosaic.version = 14 : i64} {
  func.func @_vq_body(%arg0: i32, %arg1: memref<2x64x1024xf32, #tpu.memory_space<vmem>>, %arg2: memref<1024x64xf32, #tpu.memory_space<vmem>>, %arg3: memref<64x1024xf32, #tpu.memory_space<vmem>>, %arg4: memref<2x1x1024xi32, #tpu.memory_space<vmem>>, %arg5: memref<1x1xf32, #tpu.memory_space<smem>>) attributes {dimension_semantics = [#tpu.dimension_semantics<arbitrary>], iteration_bounds = array<i64: 16>, scalar_prefetch = 0 : i64, scratch_operands = 0 : i64, tpu.core_type = #tpu.core_type<tc>, window_params = [{transform_indices = @transform_0, window_bounds = array<i64: 2, 64, 1024>}, {pipeline_mode = #tpu.pipeline_mode<synchronous>, transform_indices = @transform_1, window_bounds = array<i64: 1024, 64>}, {pipeline_mode = #tpu.pipeline_mode<synchronous>, transform_indices = @transform_2, window_bounds = array<i64: 64, 1024>}, {transform_indices = @transform_3, window_bounds = array<i64: 2, 1, 1024>}, {transform_indices = @transform_4, window_bounds = array<i64: 1, 1>}]} {
    %get3A = arith.constant 0 : index
    %get3A_0 = arith.constant 0 : index
    %get3A_1 = vector.load %arg2[%get3A, %get3A_0] : memref<1024x64xf32, #tpu.memory_space<vmem>>, vector<1024x64xf32>
    %mul3A = arith.constant 5.000000e-01 : f32
    %mul3A_2 = vector.broadcast %mul3A : f32 to vector<1024x64xf32>
    %mul3A_3 = arith.mulf %get3A_1, %mul3A_2 : vector<1024x64xf32>
    %mul3A_4 = arith.mulf %mul3A_3, %mul3A_3 : vector<1024x64xf32>
    %reduce_sum3A = arith.constant dense<0.000000e+00> : vector<1024xf32>
    %reduce_sum3A_5 = vector.multi_reduction <add>, %mul3A_4, %reduce_sum3A [1] : vector<1024x64xf32> to vector<1024xf32>
    %broadcast_in_dim3A = vector.shape_cast %reduce_sum3A_5 : vector<1024xf32> to vector<1024x1xf32>
    %get3A_6 = arith.constant 0 : index
    %get3A_7 = arith.constant 0 : index
    %get3A_8 = arith.constant 0 : index
    %get3A_9 = vector.load %arg1[%get3A_6, %get3A_7, %get3A_8] : memref<2x64x1024xf32, #tpu.memory_space<vmem>>, vector<1x64x1024xf32>
    %get3A_10 = vector.shape_cast %get3A_9 : vector<1x64x1024xf32> to vector<64x1024xf32>
    %mul3A_11 = arith.mulf %get3A_10, %get3A_10 : vector<64x1024xf32>
    %reduce_sum3A_12 = arith.constant dense<0.000000e+00> : vector<1024xf32>
    %reduce_sum3A_13 = vector.multi_reduction <add>, %mul3A_11, %reduce_sum3A_12 [0] : vector<64x1024xf32> to vector<1024xf32>
    %broadcast_in_dim3A_14 = vector.shape_cast %reduce_sum3A_13 : vector<1024xf32> to vector<1x1024xf32>
    %dot_general3A = arith.constant dense<0.000000e+00> : vector<1024x1024xf32>
    %dot_general3A_15 = tpu.matmul %get3A_1, %get3A_10, %dot_general3A {dimension_numbers = #tpu.dot_dimension_numbers<[1], [0], [0], [1], [0, 0, 1, 1], [], []>, transpose_lhs_hint = false} : vector<1024x64xf32>, vector<64x1024xf32>, vector<1024x1024xf32> -> vector<1024x1024xf32>
    %add3A = vector.broadcast %broadcast_in_dim3A_14 : vector<1x1024xf32> to vector<1024x1024xf32>
    %add3A_16 = vector.broadcast %broadcast_in_dim3A : vector<1024x1xf32> to vector<1024x1024xf32>
    %add3A_17 = arith.addf %add3A, %add3A_16 : vector<1024x1024xf32>
    %sub3A = arith.subf %add3A_17, %dot_general3A_15 : vector<1024x1024xf32>
    %reduce_min3A = arith.constant dense<0x7F800000> : vector<1024xf32>
    %reduce_min3A_18 = vector.multi_reduction <minimumf>, %sub3A, %reduce_min3A [0] : vector<1024x1024xf32> to vector<1024xf32>
    %broadcast_in_dim3A_19 = vector.shape_cast %reduce_min3A_18 : vector<1024xf32> to vector<1x1024xf32>
    %eq3A = vector.broadcast %broadcast_in_dim3A_19 : vector<1x1024xf32> to vector<1024x1024xf32>
    %eq3A_20 = arith.cmpf oeq, %sub3A, %eq3A : vector<1024x1024xf32>
    %jit3A = arith.constant 1.000000e+00 : f32
    %jit3A_21 = arith.constant 0.000000e+00 : f32
    %broadcast_in_dim3A_22 = vector.broadcast %jit3A : f32 to vector<1024x1024xf32>
    %broadcast_in_dim3A_23 = vector.broadcast %jit3A_21 : f32 to vector<1024x1024xf32>
    %select_n3A = arith.select %eq3A_20, %broadcast_in_dim3A_22, %broadcast_in_dim3A_23 : vector<1024x1024xi1>, vector<1024x1024xf32>
    %get3A_24 = arith.constant 0 : index
    %get3A_25 = arith.constant 0 : index
    %get3A_26 = vector.load %arg3[%get3A_24, %get3A_25] : memref<64x1024xf32, #tpu.memory_space<vmem>>, vector<64x1024xf32>
    %dot_general3A_27 = arith.constant dense<0.000000e+00> : vector<64x1024xf32>
    %dot_general3A_28 = tpu.matmul %get3A_26, %select_n3A, %dot_general3A_27 {dimension_numbers = #tpu.dot_dimension_numbers<[1], [0], [0], [1], [0, 0, 1, 1], [], []>, transpose_lhs_hint = false} : vector<64x1024xf32>, vector<1024x1024xf32>, vector<64x1024xf32> -> vector<64x1024xf32>
    %iota3A = tpu.iota {dimensions = array<i32: 0>} : vector<64x1024xi32>
    %convert_element_type3A = arith.sitofp %iota3A : vector<64x1024xi32> to vector<64x1024xf32>
    %gt3A = arith.constant 0.000000e+00 : f32
    %gt3A_29 = vector.broadcast %gt3A : f32 to vector<64x1024xf32>
    %gt3A_30 = arith.cmpf ogt, %dot_general3A_28, %gt3A_29 : vector<64x1024xf32>
    %mul3A_31 = arith.constant 6.553600e+04 : f32
    %mul3A_32 = vector.broadcast %mul3A_31 : f32 to vector<64x1024xf32>
    %mul3A_33 = arith.mulf %convert_element_type3A, %mul3A_32 : vector<64x1024xf32>
    %add3A_34 = arith.addf %mul3A_33, %dot_general3A_28 : vector<64x1024xf32>
    %jit3A_35 = arith.constant 1.000000e+09 : f32
    %broadcast_in_dim3A_36 = vector.broadcast %jit3A_35 : f32 to vector<64x1024xf32>
    %select_n3A_37 = arith.select %gt3A_30, %add3A_34, %broadcast_in_dim3A_36 : vector<64x1024xi1>, vector<64x1024xf32>
    %reduce_min3A_38 = arith.constant dense<0x7F800000> : vector<1024xf32>
    %reduce_min3A_39 = vector.multi_reduction <minimumf>, %select_n3A_37, %reduce_min3A_38 [0] : vector<64x1024xf32> to vector<1024xf32>
    %mul3A_40 = arith.constant 1.52587891E-5 : f32
    %mul3A_41 = vector.broadcast %mul3A_40 : f32 to vector<1024xf32>
    %mul3A_42 = arith.mulf %reduce_min3A_39, %mul3A_41 : vector<1024xf32>
    %floor3A = math.floor %mul3A_42 : vector<1024xf32>
    %mul3A_43 = arith.constant 6.553600e+04 : f32
    %mul3A_44 = vector.broadcast %mul3A_43 : f32 to vector<1024xf32>
    %mul3A_45 = arith.mulf %floor3A, %mul3A_44 : vector<1024xf32>
    %sub3A_46 = arith.subf %reduce_min3A_39, %mul3A_45 : vector<1024xf32>
    %convert_element_type3A_47 = arith.fptosi %sub3A_46 : vector<1024xf32> to vector<1024xi32>
    %neg3A = arith.constant 0 : i32
    %neg3A_48 = vector.broadcast %neg3A : i32 to vector<1024xi32>
    %neg3A_49 = arith.subi %neg3A_48, %convert_element_type3A_47 : vector<1024xi32>
    %and3A = arith.andi %convert_element_type3A_47, %neg3A_49 : vector<1024xi32>
    %convert_element_type3A_50 = arith.sitofp %and3A : vector<1024xi32> to vector<1024xf32>
    %bitcast_convert_type3A = tpu.bitcast %convert_element_type3A_50 : vector<1024xf32> -> vector<1024xi32>
    %shift_right_logical3A = arith.constant 23 : i32
    %shift_right_logical3A_51 = vector.broadcast %shift_right_logical3A : i32 to vector<1024xi32>
    %shift_right_logical3A_52 = arith.shrui %bitcast_convert_type3A, %shift_right_logical3A_51 : vector<1024xi32>
    %sub3A_53 = arith.constant 127 : i32
    %sub3A_54 = vector.broadcast %sub3A_53 : i32 to vector<1024xi32>
    %sub3A_55 = arith.subi %shift_right_logical3A_52, %sub3A_54 : vector<1024xi32>
    %convert_element_type3A_56 = arith.fptosi %floor3A : vector<1024xf32> to vector<1024xi32>
    %mul3A_57 = arith.constant 16 : i32
    %mul3A_58 = vector.broadcast %mul3A_57 : i32 to vector<1024xi32>
    %mul3A_59 = arith.muli %convert_element_type3A_56, %mul3A_58 : vector<1024xi32>
    %add3A_60 = arith.addi %mul3A_59, %sub3A_55 : vector<1024xi32>
    %swap3A = arith.constant 0 : index
    %swap3A_61 = arith.constant 0 : index
    %swap3A_62 = arith.constant 0 : index
    %swap3A_63 = vector.load %arg4[%swap3A, %swap3A_61, %swap3A_62] : memref<2x1x1024xi32, #tpu.memory_space<vmem>>, vector<1x1x1024xi32>
    %swap3A_64 = vector.shape_cast %swap3A_63 : vector<1x1x1024xi32> to vector<1024xi32>
    %swap3A_65 = vector.shape_cast %add3A_60 : vector<1024xi32> to vector<1x1x1024xi32>
    tpu.vector_store %arg4[%swap3A, %swap3A_61, %swap3A_62], %swap3A_65 {strides = array<i32>} : memref<2x1x1024xi32, #tpu.memory_space<vmem>>, vector<1x1x1024xi32>,
    %reduce_sum3A_66 = vector.shape_cast %broadcast_in_dim3A_19 : vector<1x1024xf32> to vector<1x1x1024xf32>
    %reduce_sum3A_67 = arith.constant dense<0.000000e+00> : vector<1xf32>
    %reduce_sum3A_68 = vector.multi_reduction <add>, %reduce_sum3A_66, %reduce_sum3A_67 [1, 2] : vector<1x1x1024xf32> to vector<1xf32>
    %reduce_sum3A_69 = vector.shape_cast %reduce_sum3A_68 : vector<1xf32> to vector<1x1x1xf32>
    %reduce_sum3A_70 = vector.extract %reduce_sum3A_69[0, 0, 0] : f32 from vector<1x1x1xf32>
    %add3A_71 = arith.constant 0.000000e+00 : f32
    %add3A_72 = arith.addf %add3A_71, %reduce_sum3A_70 : f32
    %get3A_73 = arith.constant 1 : index
    %get3A_74 = arith.constant 0 : index
    %get3A_75 = arith.constant 0 : index
    %get3A_76 = vector.load %arg1[%get3A_73, %get3A_74, %get3A_75] : memref<2x64x1024xf32, #tpu.memory_space<vmem>>, vector<1x64x1024xf32>
    %get3A_77 = vector.shape_cast %get3A_76 : vector<1x64x1024xf32> to vector<64x1024xf32>
    %mul3A_78 = arith.mulf %get3A_77, %get3A_77 : vector<64x1024xf32>
    %reduce_sum3A_79 = arith.constant dense<0.000000e+00> : vector<1024xf32>
    %reduce_sum3A_80 = vector.multi_reduction <add>, %mul3A_78, %reduce_sum3A_79 [0] : vector<64x1024xf32> to vector<1024xf32>
    %broadcast_in_dim3A_81 = vector.shape_cast %reduce_sum3A_80 : vector<1024xf32> to vector<1x1024xf32>
    %dot_general3A_82 = arith.constant dense<0.000000e+00> : vector<1024x1024xf32>
    %dot_general3A_83 = tpu.matmul %get3A_1, %get3A_77, %dot_general3A_82 {dimension_numbers = #tpu.dot_dimension_numbers<[1], [0], [0], [1], [0, 0, 1, 1], [], []>, transpose_lhs_hint = false} : vector<1024x64xf32>, vector<64x1024xf32>, vector<1024x1024xf32> -> vector<1024x1024xf32>
    %add3A_84 = vector.broadcast %broadcast_in_dim3A_81 : vector<1x1024xf32> to vector<1024x1024xf32>
    %add3A_85 = vector.broadcast %broadcast_in_dim3A : vector<1024x1xf32> to vector<1024x1024xf32>
    %add3A_86 = arith.addf %add3A_84, %add3A_85 : vector<1024x1024xf32>
    %sub3A_87 = arith.subf %add3A_86, %dot_general3A_83 : vector<1024x1024xf32>
    %reduce_min3A_88 = arith.constant dense<0x7F800000> : vector<1024xf32>
    %reduce_min3A_89 = vector.multi_reduction <minimumf>, %sub3A_87, %reduce_min3A_88 [0] : vector<1024x1024xf32> to vector<1024xf32>
    %broadcast_in_dim3A_90 = vector.shape_cast %reduce_min3A_89 : vector<1024xf32> to vector<1x1024xf32>
    %eq3A_91 = vector.broadcast %broadcast_in_dim3A_90 : vector<1x1024xf32> to vector<1024x1024xf32>
    %eq3A_92 = arith.cmpf oeq, %sub3A_87, %eq3A_91 : vector<1024x1024xf32>
    %jit3A_93 = arith.constant 1.000000e+00 : f32
    %jit3A_94 = arith.constant 0.000000e+00 : f32
    %broadcast_in_dim3A_95 = vector.broadcast %jit3A_93 : f32 to vector<1024x1024xf32>
    %broadcast_in_dim3A_96 = vector.broadcast %jit3A_94 : f32 to vector<1024x1024xf32>
    %select_n3A_97 = arith.select %eq3A_92, %broadcast_in_dim3A_95, %broadcast_in_dim3A_96 : vector<1024x1024xi1>, vector<1024x1024xf32>
    %get3A_98 = arith.constant 0 : index
    %get3A_99 = arith.constant 0 : index
    %get3A_100 = vector.load %arg3[%get3A_98, %get3A_99] : memref<64x1024xf32, #tpu.memory_space<vmem>>, vector<64x1024xf32>
    %dot_general3A_101 = arith.constant dense<0.000000e+00> : vector<64x1024xf32>
    %dot_general3A_102 = tpu.matmul %get3A_100, %select_n3A_97, %dot_general3A_101 {dimension_numbers = #tpu.dot_dimension_numbers<[1], [0], [0], [1], [0, 0, 1, 1], [], []>, transpose_lhs_hint = false} : vector<64x1024xf32>, vector<1024x1024xf32>, vector<64x1024xf32> -> vector<64x1024xf32>
    %iota3A_103 = tpu.iota {dimensions = array<i32: 0>} : vector<64x1024xi32>
    %convert_element_type3A_104 = arith.sitofp %iota3A_103 : vector<64x1024xi32> to vector<64x1024xf32>
    %gt3A_105 = arith.constant 0.000000e+00 : f32
    %gt3A_106 = vector.broadcast %gt3A_105 : f32 to vector<64x1024xf32>
    %gt3A_107 = arith.cmpf ogt, %dot_general3A_102, %gt3A_106 : vector<64x1024xf32>
    %mul3A_108 = arith.constant 6.553600e+04 : f32
    %mul3A_109 = vector.broadcast %mul3A_108 : f32 to vector<64x1024xf32>
    %mul3A_110 = arith.mulf %convert_element_type3A_104, %mul3A_109 : vector<64x1024xf32>
    %add3A_111 = arith.addf %mul3A_110, %dot_general3A_102 : vector<64x1024xf32>
    %jit3A_112 = arith.constant 1.000000e+09 : f32
    %broadcast_in_dim3A_113 = vector.broadcast %jit3A_112 : f32 to vector<64x1024xf32>
    %select_n3A_114 = arith.select %gt3A_107, %add3A_111, %broadcast_in_dim3A_113 : vector<64x1024xi1>, vector<64x1024xf32>
    %reduce_min3A_115 = arith.constant dense<0x7F800000> : vector<1024xf32>
    %reduce_min3A_116 = vector.multi_reduction <minimumf>, %select_n3A_114, %reduce_min3A_115 [0] : vector<64x1024xf32> to vector<1024xf32>
    %mul3A_117 = arith.constant 1.52587891E-5 : f32
    %mul3A_118 = vector.broadcast %mul3A_117 : f32 to vector<1024xf32>
    %mul3A_119 = arith.mulf %reduce_min3A_116, %mul3A_118 : vector<1024xf32>
    %floor3A_120 = math.floor %mul3A_119 : vector<1024xf32>
    %mul3A_121 = arith.constant 6.553600e+04 : f32
    %mul3A_122 = vector.broadcast %mul3A_121 : f32 to vector<1024xf32>
    %mul3A_123 = arith.mulf %floor3A_120, %mul3A_122 : vector<1024xf32>
    %sub3A_124 = arith.subf %reduce_min3A_116, %mul3A_123 : vector<1024xf32>
    %convert_element_type3A_125 = arith.fptosi %sub3A_124 : vector<1024xf32> to vector<1024xi32>
    %neg3A_126 = arith.constant 0 : i32
    %neg3A_127 = vector.broadcast %neg3A_126 : i32 to vector<1024xi32>
    %neg3A_128 = arith.subi %neg3A_127, %convert_element_type3A_125 : vector<1024xi32>
    %and3A_129 = arith.andi %convert_element_type3A_125, %neg3A_128 : vector<1024xi32>
    %convert_element_type3A_130 = arith.sitofp %and3A_129 : vector<1024xi32> to vector<1024xf32>
    %bitcast_convert_type3A_131 = tpu.bitcast %convert_element_type3A_130 : vector<1024xf32> -> vector<1024xi32>
    %shift_right_logical3A_132 = arith.constant 23 : i32
    %shift_right_logical3A_133 = vector.broadcast %shift_right_logical3A_132 : i32 to vector<1024xi32>
    %shift_right_logical3A_134 = arith.shrui %bitcast_convert_type3A_131, %shift_right_logical3A_133 : vector<1024xi32>
    %sub3A_135 = arith.constant 127 : i32
    %sub3A_136 = vector.broadcast %sub3A_135 : i32 to vector<1024xi32>
    %sub3A_137 = arith.subi %shift_right_logical3A_134, %sub3A_136 : vector<1024xi32>
    %convert_element_type3A_138 = arith.fptosi %floor3A_120 : vector<1024xf32> to vector<1024xi32>
    %mul3A_139 = arith.constant 16 : i32
    %mul3A_140 = vector.broadcast %mul3A_139 : i32 to vector<1024xi32>
    %mul3A_141 = arith.muli %convert_element_type3A_138, %mul3A_140 : vector<1024xi32>
    %add3A_142 = arith.addi %mul3A_141, %sub3A_137 : vector<1024xi32>
    %swap3A_143 = arith.constant 1 : index
    %swap3A_144 = arith.constant 0 : index
    %swap3A_145 = arith.constant 0 : index
    %swap3A_146 = vector.load %arg4[%swap3A_143, %swap3A_144, %swap3A_145] : memref<2x1x1024xi32, #tpu.memory_space<vmem>>, vector<1x1x1024xi32>
    %swap3A_147 = vector.shape_cast %swap3A_146 : vector<1x1x1024xi32> to vector<1024xi32>
    %swap3A_148 = vector.shape_cast %add3A_142 : vector<1024xi32> to vector<1x1x1024xi32>
    tpu.vector_store %arg4[%swap3A_143, %swap3A_144, %swap3A_145], %swap3A_148 {strides = array<i32>} : memref<2x1x1024xi32, #tpu.memory_space<vmem>>, vector<1x1x1024xi32>,
    %reduce_sum3A_149 = vector.shape_cast %broadcast_in_dim3A_90 : vector<1x1024xf32> to vector<1x1x1024xf32>
    %reduce_sum3A_150 = arith.constant dense<0.000000e+00> : vector<1xf32>
    %reduce_sum3A_151 = vector.multi_reduction <add>, %reduce_sum3A_149, %reduce_sum3A_150 [1, 2] : vector<1x1x1024xf32> to vector<1xf32>
    %reduce_sum3A_152 = vector.shape_cast %reduce_sum3A_151 : vector<1xf32> to vector<1x1x1xf32>
    %reduce_sum3A_153 = vector.extract %reduce_sum3A_152[0, 0, 0] : f32 from vector<1x1x1xf32>
    %add3A_154 = arith.addf %add3A_72, %reduce_sum3A_153 : f32
    %eq3A_155 = arith.constant 0 : i32
    %eq3A_156 = arith.cmpi eq, %arg0, %eq3A_155 : i32
    %convert_element_type3A_157 = arith.extui %eq3A_156 : i1 to i32
    %cond3A = arith.constant 0 : i32
    %cond3A_158 = arith.cmpi ne, %convert_element_type3A_157, %cond3A : i32
    scf.if %cond3A_158 {
      %swap3A_171 = arith.constant 0.000000e+00 : f32
      %swap3A_172 = arith.constant 0 : index
      %swap3A_173 = arith.constant 0 : index
      %swap3A_174 = memref.load %arg5[%swap3A_172, %swap3A_173] : memref<1x1xf32, #tpu.memory_space<smem>>
      memref.store %swap3A_171, %arg5[%swap3A_172, %swap3A_173] : memref<1x1xf32, #tpu.memory_space<smem>>
    } else {
    }
    %get3A_159 = arith.constant 0 : index
    %get3A_160 = arith.constant 0 : index
    %get3A_161 = memref.load %arg5[%get3A_159, %get3A_160] : memref<1x1xf32, #tpu.memory_space<smem>>
    %add3A_162 = arith.addf %get3A_161, %add3A_154 : f32
    %swap3A_163 = arith.constant 0 : index
    %swap3A_164 = arith.constant 0 : index
    %swap3A_165 = memref.load %arg5[%swap3A_163, %swap3A_164] : memref<1x1xf32, #tpu.memory_space<smem>>
    memref.store %add3A_162, %arg5[%swap3A_163, %swap3A_164] : memref<1x1xf32, #tpu.memory_space<smem>>
    %eq3A_166 = arith.constant 15 : i32
    %eq3A_167 = arith.cmpi eq, %arg0, %eq3A_166 : i32
    %convert_element_type3A_168 = arith.extui %eq3A_167 : i1 to i32
    %cond3A_169 = arith.constant 0 : i32
    %cond3A_170 = arith.cmpi ne, %convert_element_type3A_168, %cond3A_169 : i32
    scf.if %cond3A_170 {
      %get3A_171 = arith.constant 0 : index
      %get3A_172 = arith.constant 0 : index
      %get3A_173 = memref.load %arg5[%get3A_171, %get3A_172] : memref<1x1xf32, #tpu.memory_space<smem>>
      %mul3A_174 = arith.constant 5.96046448E-7 : f32
      %mul3A_175 = arith.mulf %get3A_173, %mul3A_174 : f32
      %swap3A_176 = arith.constant 0 : index
      %swap3A_177 = arith.constant 0 : index
      %swap3A_178 = memref.load %arg5[%swap3A_176, %swap3A_177] : memref<1x1xf32, #tpu.memory_space<smem>>
      memref.store %mul3A_175, %arg5[%swap3A_176, %swap3A_177] : memref<1x1xf32, #tpu.memory_space<smem>>
    } else {
    }
    return
  }
  func.func @transform_0(%arg0: i32) -> (i32, i32, i32) {
    %c0_i32 = arith.constant 0 : i32
    %c0_i32_0 = arith.constant 0 : i32
    %c0_i32_1 = arith.constant 0 : i32
    return %arg0, %c0_i32, %c0_i32_0 : i32, i32, i32
  }
  func.func @transform_1(%arg0: i32) -> (i32, i32) {
    %c0_i32 = arith.constant 0 : i32
    %c0_i32_0 = arith.constant 0 : i32
    %c0_i32_1 = arith.constant 0 : i32
    return %c0_i32, %c0_i32_0 : i32, i32
  }
  func.func @transform_2(%arg0: i32) -> (i32, i32) {
    %c0_i32 = arith.constant 0 : i32
    %c0_i32_0 = arith.constant 0 : i32
    %c0_i32_1 = arith.constant 0 : i32
    return %c0_i32, %c0_i32_0 : i32, i32
  }
  func.func @transform_3(%arg0: i32) -> (i32, i32, i32) {
    %c0_i32 = arith.constant 0 : i32
    %c0_i32_0 = arith.constant 0 : i32
    %c0_i32_1 = arith.constant 0 : i32
    return %arg0, %c0_i32, %c0_i32_0 : i32, i32, i32
  }
  func.func @transform_4(%arg0: i32) -> (i32, i32) {
    %c0_i32 = arith.constant 0 : i32
    %c0_i32_0 = arith.constant 0 : i32
    %c0_i32_1 = arith.constant 0 : i32
    return %c0_i32, %c0_i32_0 : i32, i32
  }
}

</mosaic_0001>

<sc_bundles>
// kernel: kernel.4.cloned.1.call-start
scs
__scs_entry_jumppad:
0x0: {  	(pc) =	sbr.rel $0x88, $3  }
0x1: {  	(tag) =	ssettag $0x0;
	lr =	simm.s32 $0x1  }
0x2: {  	[smem:$0x3F9F] =	sst lr;
	_ =	strace $0xD0000000  }
0x3: {  	_ = 	snop  }
0x4: {  	_ = 	snop  }
0x5: {  	_ = 	snop  }
0x6: {  	_ = 	snop  }
0x7: {  	_ = 	snop  }
__scs_overlays_trampoline_lowered:
0x8: {  	[smem:$0x3FAE] =	sst s0  }
0x9: {  	[smem:$0x3FAF] =	sst s1  }
0xa: {  	[smem:$0x3FB0] =	sst s2  }
0xb: {  	[smem:$0x3FB1] =	sst s3  }
0xc: {  	[smem:$0x3FB2] =	sst s4  }
0xd: {  	[smem:$0x3FB3] =	sst s5  }
0xe: {  	[smem:$0x3FB4] =	sst s6  }
0xf: {  	[smem:$0x3FB5] =	sst s7  }
0x10: {  	[smem:$0x3FB6] =	sst s8  }
0x11: {  	[smem:$0x3FB7] =	sst s9;
	s0 =	simm.s32 @!p0 $0x0  }
0x12: {  	s1 =	sld [smem:$0x3F9D];
	s0 =	simm.s32 @p0 $0x1  }
0x13: {  	[smem:$0x3FB8] =	sst s0;
	s0 =	simm.s32 @!p1 $0x0  }
0x14: {  	s2 =	sld [smem:$0x3F9C];
	s0 =	simm.s32 @p1 $0x1  }
0x15: {  	[smem:$0x3FB9] =	sst s0;
	s0 =	simm.s32 @!p2 $0x0  }
0x16: {  	s3 =	sld [smem:$0x3FDB];
	s0 =	simm.s32 @p2 $0x1  }
0x17: {  	s4 =	simm.s32 $0x1BF5;
	[smem:$0x3FBB] =	sst s0  }
0x18: {  	s0 =	sld [smem:$0x3F9E];
	_ =	swait.ge [sflag:s4], $0x0  }
0x19: {  	s7 =	sld [smem:$0x3F9F]  }
0x1a: {  	s8 =	sadd.s32 $0xFFFFE003, lr  }
0x1b: {  	s9 =	sadd.s32 $0xFFFFFEF7, lr;
	s5 =	simm.s32 $0xFFFFFFFF;
	p2 =	slt.u32 s8, $0xFFFFF086  }
0x1c: {  	p1 =	slt.u32 s9, $0xF7A;
	s5 =	simm.s32 @!p2 $0x0  }
0x1d: {  	s5 =	simm.s32 @p1 $0x1;
	p0 =	seq.s32 s7, s2  }
0x1e: {  	s7 =	smul.u32 @!p0 $0xF7A, s2;
	p2 =	seq.s32 @!p0 s5, $0x0  }
0x1f: {  	s9 =	smul.u32 $0xF7A, s1;
	s8 =	simm.s32 @!p0 $0x1BF5;
	p2 =	por !p2, p0  }
0x20: {  	[sflag:s8] =	ssyncset.s32 @!p0 $0xFFFFF086;
	s6 =	sadd.s32 @!p0 s3, s7;
	s7 =	simm.s32 @!p0 $0x108  }
0x21: {  	s3 =	sadd.s32 s3, s9;
	s6 =	sadd.s32 @!p0 $0x88, s6;
	s7 =	simm.s32 @p2 $0x1082  }
0x22: {  	[simem:s7], [sflag:s8] =	dma.local @!p0 [hbm:s6], $0xF7A  }
0x23: {  	s9 =	sor.u32 $0xD0000000, s2;
	s6 =	simm.s32 $0x108;
	_ =	swait.ge @!p0 [sflag:s8], $0x0  }
0x24: {  	s3 =	sadd.s32 $0x88, s3;
	s6 =	simm.s32 @!p1 $0x1082;
	[sflag:s4] =	ssyncset.s32 $0xFFFFF086  }
0x25: {  	[simem:s6], [sflag:s4] =	dma.local [hbm:s3], $0xF7A  }
0x26: {  	[smem:$0x3F9F] =	sst s1;
	(tag) =	ssettag s2;
	_ =	strace s9  }
0x27: {  	s1 =	sld [smem:$0x3FAF]  }
0x28: {  	s2 =	sld [smem:$0x3FB0]  }
0x29: {  	s4 =	sld [smem:$0x3FB2]  }
0x2a: {  	p0 =	seq.s32 s5, $0x0;
	s5 =	sld [smem:$0x3FB3]  }
0x2b: {  	s6 =	sld [smem:$0x3FB4]  }
0x2c: {  	s7 =	sld [smem:$0x3FB5]  }
0x2d: {  	s3 =	simm.s32 $0x108;
	s8 =	sld [smem:$0x3FB6]  }
0x2e: {  	s3 =	simm.s32 @!p0 $0x1082;
	s9 =	sld [smem:$0x3FB7]  }
0x2f: {  	lr =	sadd.s32 s0, s3;
	s0 =	sld [smem:$0x3FAE]  }
0x30: {  	s3 =	sld [smem:$0x3FB1]  }
0x31: {  	[smem:$0x3FBA] =	sst s10  }
0x32: {  	s10 =	sld [smem:$0x3FB8];
	_ =	sdelay $0x3  }
0x33: {  	p0 =	seq.s32 s10, $0x1;
	s10 =	sld [smem:$0x3FBA];
	_ =	sdelay $0x3  }
0x34: {  	[smem:$0x3FBA] =	sst s10  }
0x35: {  	s10 =	sld [smem:$0x3FB9];
	_ =	sdelay $0x3  }
0x36: {  	p1 =	seq.s32 s10, $0x1;
	s10 =	sld [smem:$0x3FBA];
	_ =	sdelay $0x3  }
0x37: {  	[smem:$0x3FBA] =	sst s10  }
0x38: {  	s10 =	sld [smem:$0x3FBB]  }
0x39: {  	_ = 	snop;
	(pc) =	sbr.ind lr, $3  }
0x3a: {  	_ = 	snop  }
0x3b: {  	_ = 	snop  }
0x3c: {  	p2 =	seq.s32 s10, $0x1;
	s10 =	sld [smem:$0x3FBA]  }
0x3d: {  	_ =	shalt  }
0x3e: {  	_ =	shalt  }
0x3f: {  	_ =	shalt  }
0x40: {  	_ =	shalt  }
0x41: {  	_ =	shalt  }
0x42: {  	_ =	shalt  }
0x43: {  	_ =	shalt  }
0x44: {  	_ =	shalt  }
0x45: {  	_ =	shalt  }
0x46: {  	_ =	shalt  }
0x47: {  	_ =	shalt  }
0x48: {  	_ =	shalt  }
0x49: {  	_ =	shalt  }
0x4a: {  	_ =	shalt  }
0x4b: {  	_ =	shalt  }
0x4c: {  	_ =	shalt  }
0x4d: {  	_ =	shalt  }
0x4e: {  	_ =	shalt  }
0x4f: {  	_ =	shalt  }
0x50: {  	_ =	shalt  }
0x51: {  	_ =	shalt  }
0x52: {  	_ =	shalt  }
0x53: {  	_ =	shalt  }
0x54: {  	_ =	shalt  }
0x55: {  	_ =	shalt  }
0x56: {  	_ =	shalt  }
0x57: {  	_ =	shalt  }
0x58: {  	_ =	shalt  }
0x59: {  	_ =	shalt  }
0x5a: {  	_ =	shalt  }
0x5b: {  	_ =	shalt  }
0x5c: {  	_ =	shalt  }
0x5d: {  	_ =	shalt  }
0x5e: {  	_ =	shalt  }
0x5f: {  	_ =	shalt  }
0x60: {  	_ =	shalt  }
0x61: {  	_ =	shalt  }
0x62: {  	_ =	shalt  }
0x63: {  	_ =	shalt  }
0x64: {  	_ =	shalt  }
0x65: {  	_ =	shalt  }
0x66: {  	_ =	shalt  }
0x67: {  	_ =	shalt  }
0x68: {  	_ =	shalt  }
0x69: {  	_ =	shalt  }
0x6a: {  	_ =	shalt  }
0x6b: {  	_ =	shalt  }
0x6c: {  	_ =	shalt  }
0x6d: {  	_ =	shalt  }
0x6e: {  	_ =	shalt  }
0x6f: {  	_ =	shalt  }
0x70: {  	_ =	shalt  }
0x71: {  	_ =	shalt  }
0x72: {  	_ =	shalt  }
0x73: {  	_ =	shalt  }
0x74: {  	_ =	shalt  }
0x75: {  	_ =	shalt  }
0x76: {  	_ =	shalt  }
0x77: {  	_ =	shalt  }
0x78: {  	_ =	shalt  }
0x79: {  	_ =	shalt  }
0x7a: {  	_ =	shalt  }
0x7b: {  	_ =	shalt  }
0x7c: {  	_ =	shalt  }
0x7d: {  	_ =	shalt  }
0x7e: {  	_ =	shalt  }
0x7f: {  	_ =	shalt  }
0x80: {  	_ =	shalt  }
0x81: {  	_ =	shalt  }
0x82: {  	_ =	shalt  }
0x83: {  	_ =	shalt  }
0x84: {  	_ =	shalt  }
0x85: {  	_ =	shalt  }
0x86: {  	_ =	shalt  }
0x87: {  	_ =	shalt  }
.Lfunc_end0:
.L_simem_size_0:
called_computation_lowered:
.L_overlay_start_0:
0x88: {  	s2 =	sld [smem:$0x3FD9]  }
0x89: {  	s3 =	sld [smem:$0x3FFE];
	_ =	sdelay $0x1  }
0x8a: {  	s1 =	srdreg.scid  }
0x8b: {  	s0 =	sand.u32 $0x1, s1  }
0x8c: {  	s14 =	sshll.u32 s0, $0xA;
	s2 =	sadd.s32 s3, s2  }
0x8d: {  	s2 =	sadd.s32 s2, s14  }
0x8e: {  	[smem:$0x3FC6] =	sst s2  }
0x8f: {  	_ = 	snop  }
0x90: {  	s2 =	sld [smem:$0x3FD0];
	_ =	sdelay $0x2  }
0x91: {  	s15 =	simm.s32 $0xA;
	s4 =	simm.s32 $0x10  }
0x92: {  	[smem:s4], [sflag:s15] =	dma.local [hbm:s2], $0x1  }
0x93: {  	_ =	swait.eq [sflag:s15], $0x1  }
0x94: {  	[sflag:s15] =	ssyncset.done $0x0  }
0x95: {  	[sflag:s15] =	ssyncadd.s32 $0xFFFFFFFF  }
0x96: {  	s16 =	sld [smem:$0x10];
	(tm) =	ssettm $0x1  }
0x97: {  	s17 =	sld [smem:$0x3FFB];
	_ =	sdelay $0x3  }
0x98: {  	_ =	strace s17  }
0x99: {  	s3 =	sld [smem:$0x3FFC];
	_ =	sdelay $0x3  }
0x9a: {  	_ =	strace s3  }
0x9b: {  	s3 =	sld [smem:$0x3FFD];
	_ =	sdelay $0x3  }
0x9c: {  	_ =	strace s3  }
0x9d: {  	_ =	strace $0x8FFFFFFF  }
0x9e: {  	s18 =	sld [smem:$0x3FDB];
	_ =	sdelay $0x1  }
0x9f: {  	s19 =	simm.s32 $_scs_section_size  }
0xa0: {  	s5 =	simm.s32 $_size__tile_overlayer_lowered;
	s6 =	simm.s32 $_tile_overlayer_lowered  }
0xa1: {  	s22 =	simm.s32 $0x1BFF;
	s21 =	sshll.u32 s6, $0x1;
	s3 =	sadd.s32 s19, s18  }
0xa2: {  	s7 =	simm.s32 $0x0;
	s20 =	sshll.u32 s5, $0x1;
	s5 =	sadd.s32 s21, s3  }
0xa3: {  	[timem:s7], [sflag:s22] =	dma.local [hbm:s5], s20  }
0xa4: {  	_ =	swait.ge [sflag:s22], s20  }
0xa5: {  	s4 =	ssub.s32 $0x0, s20;
	[sflag:s22] =	ssyncset.done $0x0  }
0xa6: {  	[sflag:s22] =	ssyncadd.s32 s4;
	_ =	sdelay $0x1  }
0xa7: {  	s23 =	simm.s32 $0x1B8B  }
0xa8: {  	_ =	swait.ge [sflag:s23], $0x1  }
0xa9: {  	[sflag:s23] =	ssyncset.done $0x0  }
0xaa: {  	s25 =	simm.s32 $0x1B8E;
	s24 =	sld [smem:$0x3FFE];
	[sflag:s23] =	ssyncadd.s32 $0xFFFFFFFF  }
0xab: {  	s26 =	simm.s32 $execute0_lowered;
	[smem:$0x3FD2] =	sst s25  }
0xac: {  	s5 =	sshll.u32 s26, $0x1;
	_ =	strace $0x80000046;
	[dreg:$0x1] =	wrdreg $0xFFFFFFFF  }
0xad: {  	s28 =	simm.s32 $_size_execute0_lowered;
	s3 =	sadd.s32 s3, s5;
	[dreg:$0x0] =	wrdreg $0x0  }
0xae: {  	s5 =	sshll.u32 s28, $0x1;
	[dreg:$0x2] =	wrdreg s3  }
0xaf: {  	[dreg:$0x3] =	wrdreg s5  }
0xb0: {  	[dreg:$0x4] =	wrdreg $0xC0  }
0xb1: {  	_ =	task [dreg:s7], $0x5FFFF  }
0xb2: {  	[dreg:$0x1] =	wrdreg $0xFFFFFFFF  }
0xb3: {  	[dreg:$0x0] =	wrdreg $0x60  }
0xb4: {  	[dreg:$0x2] =	wrdreg s24  }
0xb5: {  	[dreg:$0x3] =	wrdreg s16  }
0xb6: {  	[dreg:$0x4] =	wrdreg $0x9  }
0xb7: {  	_ =	task.clear_ibuf [dreg:s7], $0x5FFFF;
	_ =	strace $0x90000046  }
0xb8: {  	s29 =	simm.s32 $0x9;
	_ =	strace $0x80000048  }
0xb9: {  	_ =	swait.ge [sflag:s29], $0x1  }
0xba: {  	[sflag:s29] =	ssyncadd.s32 $0xFFFFFFFF  }
0xbb: {  	_ =	strace $0x90000048  }
0xbc: {  	_ =	sfence  }
0xbd: {  	s30 =	sld [smem:$0x0];
	_ =	sdelay $0x2  }
0xbe: {  	s31 =	sshll.u32 s1, $0xD;
	s1 =	sshrl.u32 s1, $0x2  }
0xbf: {  	s3 =	sand.u32 $0x4000, s31;
	s1 =	sadd.s32 s1, s30  }
0xc0: {  	s0 =	sor.u32 s3, s0;
	s1 =	sshll.u32 s1, $0x11  }
0xc1: {  	s0 =	sor.u32 s1, s0  }
0xc2: {  	s0 =	sadd.s32 $0x8F2B, s0  }
0xc3: {  	[sflag:s0] =	ssyncadd.remote.s32 $0x1  }
0xc4: {  	_ =	sfence.sel $0xFFFF  }
0xc5: {  	[dreg:$0x0] =	wrdreg $0xFFFFFFFF;
	(pc) =	sbr.abs _section_cstart, $3  }
0xc6: {  	[dreg:$0x1] =	wrdreg $0xFFFFFFFF  }
0xc7: {  	_ =	task.clear_ibuf [dreg:s7], $0x2FFFF;
	_ =	strace $0x9FFFFFFF  }
0xc8: {  	(tm) =	ssettm $0x7FFFFFFF  }
0xc9: {  	_ =	shalt  }
tec
execute0_lowered:
.L_overlay_start_1:
0x0: {  	(tag) =	ssettag $0x1  }
0x1: {  	s4 =	rddreg [dreg:$0x0]  }
0x2: {  	s5 =	rddreg [dreg:$0x1]  }
0x3: {  	s0 =	rddreg [dreg:$0x2];
	s2 =	simm.s32 $0x0  }
0x4: {  	s3 =	srdreg.scid;
	s1 =	stileid.u32;
	s10 =	simm.s32 $0x400  }
0x5: {  	s11 =	simm.s32 $0x10400;
	s12 =	simm.s32 $0x0;
	[smem:$0x7FF] =	sst s2  }
0x6: {  	s6 =	sand.u32 $0x1, s3;
	s28 =	sshll.u32 s1, $0x8;
	s7 =	sshrl.u32 s1, $0x2  }
0x7: {  	_ =	strace $0x80000047;
	s8 =	sshll.u32 s6, $0x7;
	s3 =	sand.u32 $0x300, s28  }
0x8: {  	s9 =	sshll.u32 s7, $0xD;
	s7 =	sshll.u32 s7, $0x13;
	s6 =	ssub.s32 $0x2, s6  }
0x9: {  	s8 =	sor.u32 s8, s3;
	s3 =	sadd.s32 $0x1400, s4;
	s30 =	sshrl.u32 s6, $0x1  }
0xa: {  	s9 =	sor.u32 s9, s8;
	s7 =	sor.u32 s7, s8;
	s31 =	ssub.s32 s6, s30  }
0xb: {  	s29 =	sshrl.u32 s9, $0x3;
	s7 =	sshrl.u32 s7, $0x3;
	s9 =	simm.s32 $0x80  }
0xc: {  	s8 =	sadd.s32 s29, s4;
	s4 =	sadd.s32 s5, s7;
	s7 =	smax.u32 s31, $0x1  }
0xd: {  	s5 =	sadd.s32 $0x400, s8;
	s6 =	sadd.s32 $0x8000, s4;
	s8 =	simm.s32 $0x1  }
.LBB2_1:
0xe: {  	[tilespmem:s2], [sflag:$0x1] =	stream.linear.gather [hbm4b:s3+s2], $0x10000, $0x38;
	[tilespmem:$0x18400] =	vst v63  }
0xf: {  	_ =	swait.ge [sflag:s8], $0x10000  }
0x10: {  	[sflag:s8] =	ssyncset.done $0x0  }
0x11: {  	s13 =	simm.s32 $0x10000;
	[sflag:s8] =	ssyncadd.s32 $0xFFFF0000  }
0x12: {  	[tilespmem:s13], [sflag:$0x1] =	stream.strided.gather [hbm4b:s5+s9], $0x400, s10, s9, $0x38;
	[tilespmem:$0x18400] =	vst v63  }
0x13: {  	_ =	swait.ge [sflag:s8], $0x400  }
0x14: {  	[sflag:s8] =	ssyncset.done $0x0  }
0x15: {  	[sflag:s8] =	ssyncadd.s32 $0xFFFFFC00  }
0x16: {  	v0 =	vld [tilespmem:s13+$0x0];
	_ =	sdelay $0x7  }
0x17: {  	v1 =	vld.idx.msk [tilespmem:v0+s2+$0x0], $0xffff  }
0x18: {  	v2 =	vadd.s32 $0x400, v0;
	_ =	sdelay $0x3  }
0x19: {  	[tilespmem:s11+$0x0] =	vst v1  }
0x1a: {  	v1 =	vld.idx.msk [tilespmem:v2+s2+$0x0], $0xffff  }
0x1b: {  	v35 =	vadd.s32 $0x800, v0;
	_ =	sdelay $0x2  }
0x1c: {  	s31 =	sand.u32 $0x3F0, s2  }
0x1d: {  	[tilespmem:s31+$0x10800] =	vst v1  }
0x1e: {  	v1 =	vld.idx.msk [tilespmem:v35+s2+$0x0], $0xffff  }
0x1f: {  	v36 =	vadd.s32 $0xC00, v0;
	_ =	sdelay $0x3  }
0x20: {  	[tilespmem:s31+$0x10C00] =	vst v1  }
0x21: {  	v1 =	vld.idx.msk [tilespmem:v36+s2+$0x0], $0xffff  }
0x22: {  	v37 =	vadd.s32 $0x1000, v0;
	_ =	sdelay $0x3  }
0x23: {  	[tilespmem:s31+$0x11000] =	vst v1  }
0x24: {  	v1 =	vld.idx.msk [tilespmem:v37+s2+$0x0], $0xffff  }
0x25: {  	v38 =	vadd.s32 $0x1400, v0;
	_ =	sdelay $0x3  }
0x26: {  	[tilespmem:s31+$0x11400] =	vst v1  }
0x27: {  	v1 =	vld.idx.msk [tilespmem:v38+s2+$0x0], $0xffff  }
0x28: {  	v39 =	vadd.s32 $0x1800, v0;
	_ =	sdelay $0x3  }
0x29: {  	[tilespmem:s31+$0x11800] =	vst v1  }
0x2a: {  	v1 =	vld.idx.msk [tilespmem:v39+s2+$0x0], $0xffff  }
0x2b: {  	v40 =	vadd.s32 $0x1C00, v0;
	_ =	sdelay $0x3  }
0x2c: {  	[tilespmem:s31+$0x11C00] =	vst v1  }
0x2d: {  	v1 =	vld.idx.msk [tilespmem:v40+s2+$0x0], $0xffff  }
0x2e: {  	v41 =	vadd.s32 $0x2000, v0;
	_ =	sdelay $0x3  }
0x2f: {  	[tilespmem:s31+$0x12000] =	vst v1  }
0x30: {  	v1 =	vld.idx.msk [tilespmem:v41+s2+$0x0], $0xffff  }
0x31: {  	v42 =	vadd.s32 $0x2400, v0;
	_ =	sdelay $0x3  }
0x32: {  	[tilespmem:s31+$0x12400] =	vst v1  }
0x33: {  	v1 =	vld.idx.msk [tilespmem:v42+s2+$0x0], $0xffff  }
0x34: {  	v43 =	vadd.s32 $0x2800, v0;
	_ =	sdelay $0x3  }
0x35: {  	[tilespmem:s31+$0x12800] =	vst v1  }
0x36: {  	v1 =	vld.idx.msk [tilespmem:v43+s2+$0x0], $0xffff  }
0x37: {  	v44 =	vadd.s32 $0x2C00, v0;
	_ =	sdelay $0x3  }
0x38: {  	[tilespmem:s31+$0x12C00] =	vst v1  }
0x39: {  	v1 =	vld.idx.msk [tilespmem:v44+s2+$0x0], $0xffff  }
0x3a: {  	v45 =	vadd.s32 $0x3000, v0;
	_ =	sdelay $0x3  }
0x3b: {  	[tilespmem:s31+$0x13000] =	vst v1  }
0x3c: {  	v1 =	vld.idx.msk [tilespmem:v45+s2+$0x0], $0xffff  }
0x3d: {  	v46 =	vadd.s32 $0x3400, v0;
	_ =	sdelay $0x3  }
0x3e: {  	[tilespmem:s31+$0x13400] =	vst v1  }
0x3f: {  	v1 =	vld.idx.msk [tilespmem:v46+s2+$0x0], $0xffff  }
0x40: {  	v47 =	vadd.s32 $0x3800, v0;
	_ =	sdelay $0x3  }
0x41: {  	[tilespmem:s31+$0x13800] =	vst v1  }
0x42: {  	v1 =	vld.idx.msk [tilespmem:v47+s2+$0x0], $0xffff  }
0x43: {  	v48 =	vadd.s32 $0x3C00, v0;
	_ =	sdelay $0x3  }
0x44: {  	[tilespmem:s31+$0x13C00] =	vst v1  }
0x45: {  	v1 =	vld.idx.msk [tilespmem:v48+s2+$0x0], $0xffff  }
0x46: {  	v49 =	vadd.s32 $0x4000, v0;
	_ =	sdelay $0x3  }
0x47: {  	[tilespmem:s31+$0x14000] =	vst v1  }
0x48: {  	v1 =	vld.idx.msk [tilespmem:v49+s2+$0x0], $0xffff  }
0x49: {  	v50 =	vadd.s32 $0x4400, v0;
	_ =	sdelay $0x3  }
0x4a: {  	[tilespmem:s31+$0x14400] =	vst v1  }
0x4b: {  	v1 =	vld.idx.msk [tilespmem:v50+s2+$0x0], $0xffff  }
0x4c: {  	v51 =	vadd.s32 $0x4800, v0;
	_ =	sdelay $0x3  }
0x4d: {  	[tilespmem:s31+$0x14800] =	vst v1  }
0x4e: {  	v1 =	vld.idx.msk [tilespmem:v51+s2+$0x0], $0xffff  }
0x4f: {  	v52 =	vadd.s32 $0x4C00, v0;
	_ =	sdelay $0x3  }
0x50: {  	[tilespmem:s31+$0x14C00] =	vst v1  }
0x51: {  	v1 =	vld.idx.msk [tilespmem:v52+s2+$0x0], $0xffff  }
0x52: {  	v53 =	vadd.s32 $0x5000, v0;
	_ =	sdelay $0x3  }
0x53: {  	[tilespmem:s31+$0x15000] =	vst v1  }
0x54: {  	v1 =	vld.idx.msk [tilespmem:v53+s2+$0x0], $0xffff  }
0x55: {  	v54 =	vadd.s32 $0x5400, v0;
	_ =	sdelay $0x3  }
0x56: {  	[tilespmem:s31+$0x15400] =	vst v1  }
0x57: {  	v1 =	vld.idx.msk [tilespmem:v54+s2+$0x0], $0xffff  }
0x58: {  	v55 =	vadd.s32 $0x5800, v0;
	_ =	sdelay $0x3  }
0x59: {  	[tilespmem:s31+$0x15800] =	vst v1  }
0x5a: {  	v1 =	vld.idx.msk [tilespmem:v55+s2+$0x0], $0xffff  }
0x5b: {  	v56 =	vadd.s32 $0x5C00, v0;
	_ =	sdelay $0x3  }
0x5c: {  	[tilespmem:s31+$0x15C00] =	vst v1  }
0x5d: {  	v1 =	vld.idx.msk [tilespmem:v56+s2+$0x0], $0xffff  }
0x5e: {  	v57 =	vadd.s32 $0x6000, v0;
	_ =	sdelay $0x3  }
0x5f: {  	[tilespmem:s31+$0x16000] =	vst v1  }
0x60: {  	v1 =	vld.idx.msk [tilespmem:v57+s2+$0x0], $0xffff  }
0x61: {  	v58 =	vadd.s32 $0x6400, v0;
	_ =	sdelay $0x3  }
0x62: {  	[tilespmem:s31+$0x16400] =	vst v1  }
0x63: {  	v1 =	vld.idx.msk [tilespmem:v58+s2+$0x0], $0xffff  }
0x64: {  	v59 =	vadd.s32 $0x6800, v0;
	_ =	sdelay $0x3  }
0x65: {  	[tilespmem:s31+$0x16800] =	vst v1  }
0x66: {  	v1 =	vld.idx.msk [tilespmem:v59+s2+$0x0], $0xffff  }
0x67: {  	v60 =	vadd.s32 $0x6C00, v0;
	_ =	sdelay $0x3  }
0x68: {  	[tilespmem:s31+$0x16C00] =	vst v1  }
0x69: {  	v1 =	vld.idx.msk [tilespmem:v60+s2+$0x0], $0xffff  }
0x6a: {  	v61 =	vadd.s32 $0x7000, v0;
	_ =	sdelay $0x3  }
0x6b: {  	[tilespmem:s31+$0x17000] =	vst v1  }
0x6c: {  	v1 =	vld.idx.msk [tilespmem:v61+s2+$0x0], $0xffff  }
0x6d: {  	v62 =	vadd.s32 $0x7400, v0;
	_ =	sdelay $0x3  }
0x6e: {  	[tilespmem:s31+$0x17400] =	vst v1  }
0x6f: {  	v1 =	vld.idx.msk [tilespmem:v62+s2+$0x0], $0xffff  }
0x70: {  	v63 =	vadd.s32 $0x7800, v0;
	_ =	sdelay $0x3  }
0x71: {  	[tilespmem:s31+$0x17800] =	vst v1  }
0x72: {  	v1 =	vld.idx.msk [tilespmem:v63+s2+$0x0], $0xffff  }
0x73: {  	v0 =	vadd.s32 $0x7C00, v0;
	_ =	sdelay $0x3  }
0x74: {  	[tilespmem:s31+$0x17C00] =	vst v1  }
0x75: {  	v0 =	vld.idx.msk [tilespmem:v0+s2+$0x0], $0xffff;
	_ =	sdelay $0x4  }
0x76: {  	s14 =	simm.s32 $0x10;
	s15 =	simm.s32 $0x10400;
	s13 =	simm.s32 $0x10010;
	[tilespmem:s31+$0x18000] =	vst v0  }
.LBB2_2:
0x77: {  	v1 =	vld [tilespmem:s13+$0x0];
	p0 =	sne.s32 s14, $0x3F0;
	_ =	sdelay $0x4  }
0x78: {  	v0 =	vadd.s32 $0x7C00, v1;
	_ =	sdelay $0x2  }
0x79: {  	v2 =	vld.idx.msk [tilespmem:v1+s2+$0x0], $0xffff;
	_ =	sdelay $0x1  }
0x7a: {  	v3 =	vadd.s32 $0x400, v1;
	_ =	sdelay $0x2  }
0x7b: {  	s15 =	sadd.s32 $0x10, s15  }
0x7c: {  	[tilespmem:s15+$0x0] =	vst v2  }
0x7d: {  	v2 =	vld.idx.msk [tilespmem:v3+s2+$0x0], $0xffff;
	_ =	sdelay $0x1  }
0x7e: {  	v3 =	vadd.s32 $0x800, v1;
	_ =	sdelay $0x2  }
0x7f: {  	s16 =	sand.u32 $0x3F0, s14  }
0x80: {  	[tilespmem:s16+$0x10800] =	vst v2  }
0x81: {  	v2 =	vld.idx.msk [tilespmem:v3+s2+$0x0], $0xffff;
	_ =	sdelay $0x1  }
0x82: {  	v3 =	vadd.s32 $0xC00, v1;
	_ =	sdelay $0x3  }
0x83: {  	[tilespmem:s16+$0x10C00] =	vst v2  }
0x84: {  	v2 =	vld.idx.msk [tilespmem:v3+s2+$0x0], $0xffff;
	_ =	sdelay $0x1  }
0x85: {  	v3 =	vadd.s32 $0x1000, v1;
	_ =	sdelay $0x3  }
0x86: {  	[tilespmem:s16+$0x11000] =	vst v2  }
0x87: {  	v2 =	vld.idx.msk [tilespmem:v3+s2+$0x0], $0xffff;
	_ =	sdelay $0x1  }
0x88: {  	v3 =	vadd.s32 $0x1400, v1;
	_ =	sdelay $0x3  }
0x89: {  	[tilespmem:s16+$0x11400] =	vst v2  }
0x8a: {  	v2 =	vld.idx.msk [tilespmem:v3+s2+$0x0], $0xffff;
	_ =	sdelay $0x1  }
0x8b: {  	v3 =	vadd.s32 $0x1800, v1;
	_ =	sdelay $0x3  }
0x8c: {  	[tilespmem:s16+$0x11800] =	vst v2  }
0x8d: {  	v2 =	vld.idx.msk [tilespmem:v3+s2+$0x0], $0xffff;
	_ =	sdelay $0x1  }
0x8e: {  	v3 =	vadd.s32 $0x1C00, v1;
	_ =	sdelay $0x3  }
0x8f: {  	[tilespmem:s16+$0x11C00] =	vst v2  }
0x90: {  	v2 =	vld.idx.msk [tilespmem:v3+s2+$0x0], $0xffff;
	_ =	sdelay $0x1  }
0x91: {  	v3 =	vadd.s32 $0x2000, v1;
	_ =	sdelay $0x3  }
0x92: {  	[tilespmem:s16+$0x12000] =	vst v2  }
0x93: {  	v2 =	vld.idx.msk [tilespmem:v3+s2+$0x0], $0xffff;
	_ =	sdelay $0x1  }
0x94: {  	v3 =	vadd.s32 $0x2400, v1;
	_ =	sdelay $0x3  }
0x95: {  	[tilespmem:s16+$0x12400] =	vst v2  }
0x96: {  	v2 =	vld.idx.msk [tilespmem:v3+s2+$0x0], $0xffff;
	_ =	sdelay $0x1  }
0x97: {  	v3 =	vadd.s32 $0x2800, v1;
	_ =	sdelay $0x3  }
0x98: {  	[tilespmem:s16+$0x12800] =	vst v2  }
0x99: {  	v2 =	vld.idx.msk [tilespmem:v3+s2+$0x0], $0xffff;
	_ =	sdelay $0x1  }
0x9a: {  	v3 =	vadd.s32 $0x2C00, v1;
	_ =	sdelay $0x3  }
0x9b: {  	[tilespmem:s16+$0x12C00] =	vst v2  }
0x9c: {  	v2 =	vld.idx.msk [tilespmem:v3+s2+$0x0], $0xffff;
	_ =	sdelay $0x1  }
0x9d: {  	v3 =	vadd.s32 $0x3000, v1;
	_ =	sdelay $0x3  }
0x9e: {  	[tilespmem:s16+$0x13000] =	vst v2  }
0x9f: {  	v2 =	vld.idx.msk [tilespmem:v3+s2+$0x0], $0xffff;
	_ =	sdelay $0x1  }
0xa0: {  	v3 =	vadd.s32 $0x3400, v1;
	_ =	sdelay $0x3  }
0xa1: {  	[tilespmem:s16+$0x13400] =	vst v2  }
0xa2: {  	v2 =	vld.idx.msk [tilespmem:v3+s2+$0x0], $0xffff;
	_ =	sdelay $0x1  }
0xa3: {  	v3 =	vadd.s32 $0x3800, v1;
	_ =	sdelay $0x3  }
0xa4: {  	[tilespmem:s16+$0x13800] =	vst v2  }
0xa5: {  	v2 =	vld.idx.msk [tilespmem:v3+s2+$0x0], $0xffff;
	_ =	sdelay $0x1  }
0xa6: {  	v3 =	vadd.s32 $0x3C00, v1;
	_ =	sdelay $0x3  }
0xa7: {  	[tilespmem:s16+$0x13C00] =	vst v2  }
0xa8: {  	v2 =	vld.idx.msk [tilespmem:v3+s2+$0x0], $0xffff;
	_ =	sdelay $0x1  }
0xa9: {  	v3 =	vadd.s32 $0x4000, v1;
	_ =	sdelay $0x3  }
0xaa: {  	[tilespmem:s16+$0x14000] =	vst v2  }
0xab: {  	v2 =	vld.idx.msk [tilespmem:v3+s2+$0x0], $0xffff;
	_ =	sdelay $0x1  }
0xac: {  	v3 =	vadd.s32 $0x4400, v1;
	_ =	sdelay $0x3  }
0xad: {  	[tilespmem:s16+$0x14400] =	vst v2  }
0xae: {  	v2 =	vld.idx.msk [tilespmem:v3+s2+$0x0], $0xffff;
	_ =	sdelay $0x1  }
0xaf: {  	v3 =	vadd.s32 $0x4800, v1;
	_ =	sdelay $0x3  }
0xb0: {  	[tilespmem:s16+$0x14800] =	vst v2  }
0xb1: {  	v2 =	vld.idx.msk [tilespmem:v3+s2+$0x0], $0xffff;
	_ =	sdelay $0x1  }
0xb2: {  	v3 =	vadd.s32 $0x4C00, v1;
	_ =	sdelay $0x3  }
0xb3: {  	[tilespmem:s16+$0x14C00] =	vst v2  }
0xb4: {  	v2 =	vld.idx.msk [tilespmem:v3+s2+$0x0], $0xffff;
	_ =	sdelay $0x1  }
0xb5: {  	v3 =	vadd.s32 $0x5000, v1;
	_ =	sdelay $0x3  }
0xb6: {  	[tilespmem:s16+$0x15000] =	vst v2  }
0xb7: {  	v2 =	vld.idx.msk [tilespmem:v3+s2+$0x0], $0xffff;
	_ =	sdelay $0x1  }
0xb8: {  	v3 =	vadd.s32 $0x5400, v1;
	_ =	sdelay $0x3  }
0xb9: {  	[tilespmem:s16+$0x15400] =	vst v2  }
0xba: {  	v2 =	vld.idx.msk [tilespmem:v3+s2+$0x0], $0xffff;
	_ =	sdelay $0x1  }
0xbb: {  	v3 =	vadd.s32 $0x5800, v1;
	_ =	sdelay $0x3  }
0xbc: {  	[tilespmem:s16+$0x15800] =	vst v2  }
0xbd: {  	v2 =	vld.idx.msk [tilespmem:v3+s2+$0x0], $0xffff;
	_ =	sdelay $0x1  }
0xbe: {  	v3 =	vadd.s32 $0x5C00, v1;
	_ =	sdelay $0x3  }
0xbf: {  	[tilespmem:s16+$0x15C00] =	vst v2  }
0xc0: {  	v2 =	vld.idx.msk [tilespmem:v3+s2+$0x0], $0xffff;
	_ =	sdelay $0x1  }
0xc1: {  	v3 =	vadd.s32 $0x6000, v1;
	_ =	sdelay $0x3  }
0xc2: {  	[tilespmem:s16+$0x16000] =	vst v2  }
0xc3: {  	v2 =	vld.idx.msk [tilespmem:v3+s2+$0x0], $0xffff;
	_ =	sdelay $0x1  }
0xc4: {  	v3 =	vadd.s32 $0x6400, v1;
	_ =	sdelay $0x3  }
0xc5: {  	[tilespmem:s16+$0x16400] =	vst v2  }
0xc6: {  	v2 =	vld.idx.msk [tilespmem:v3+s2+$0x0], $0xffff;
	_ =	sdelay $0x1  }
0xc7: {  	v3 =	vadd.s32 $0x6800, v1;
	_ =	sdelay $0x3  }
0xc8: {  	[tilespmem:s16+$0x16800] =	vst v2  }
0xc9: {  	v2 =	vld.idx.msk [tilespmem:v3+s2+$0x0], $0xffff;
	_ =	sdelay $0x1  }
0xca: {  	v3 =	vadd.s32 $0x6C00, v1;
	_ =	sdelay $0x3  }
0xcb: {  	[tilespmem:s16+$0x16C00] =	vst v2  }
0xcc: {  	v2 =	vld.idx.msk [tilespmem:v3+s2+$0x0], $0xffff;
	_ =	sdelay $0x1  }
0xcd: {  	v3 =	vadd.s32 $0x7000, v1;
	_ =	sdelay $0x3  }
0xce: {  	[tilespmem:s16+$0x17000] =	vst v2  }
0xcf: {  	v2 =	vld.idx.msk [tilespmem:v3+s2+$0x0], $0xffff;
	_ =	sdelay $0x1  }
0xd0: {  	v3 =	vadd.s32 $0x7400, v1;
	_ =	sdelay $0x3  }
0xd1: {  	[tilespmem:s16+$0x17400] =	vst v2  }
0xd2: {  	v2 =	vld.idx.msk [tilespmem:v3+s2+$0x0], $0xffff;
	_ =	sdelay $0x1  }
0xd3: {  	v1 =	vadd.s32 $0x7800, v1;
	_ =	sdelay $0x3  }
0xd4: {  	[tilespmem:s16+$0x17800] =	vst v2  }
0xd5: {  	v1 =	vld.idx.msk [tilespmem:v1+s2+$0x0], $0xffff;
	_ =	sdelay $0x5  }
0xd6: {  	[tilespmem:s16+$0x17C00] =	vst v1  }
0xd7: {  	v0 =	vld.idx.msk [tilespmem:v0+s2+$0x0], $0xffff;
	_ =	sdelay $0x1  }
.Ltmp0:
0xd8: {  	(pc) =	sbr.rel @p0 .LBB2_2-.Ltmp0, $2  }
0xd9: {  	_ =	sdelay $0x2  }
0xda: {  	s13 =	sadd.s32 $0x10, s13;
	s14 =	sadd.s32 $0x10, s14;
	[tilespmem:s16+$0x18000] =	vst v0  }
0xdb: {  	s13 =	simm.s32 $0x10400  }
0xdc: {  	[hbm4b:s4+s9] =	stream.strided.scatter [tilespmem:s13], [sflag:$0x1], $0x8000, s10, s9, $0x38;
	[tilespmem:$0x18400] =	vst v63  }
0xdd: {  	_ =	swait.ge [sflag:s8], $0x8000  }
0xde: {  	[sflag:s8] =	ssyncset.done $0x0  }
0xdf: {  	s14 =	simm.s32 $0x10000;
	[sflag:s8] =	ssyncadd.s32 $0xFFFF8000  }
0xe0: {  	v0 =	vld [tilespmem:s14+$0x0];
	_ =	sdelay $0x4  }
0xe1: {  	v1 =	vadd.s32 $0x8000, v0;
	_ =	sdelay $0x4  }
0xe2: {  	v1 =	vld.idx.msk [tilespmem:v1+s2+$0x0], $0xffff  }
0xe3: {  	v2 =	vadd.s32 $0x8400, v0;
	_ =	sdelay $0x3  }
0xe4: {  	[tilespmem:s13+$0x0] =	vst v1  }
0xe5: {  	v1 =	vld.idx.msk [tilespmem:v2+s2+$0x0], $0xffff  }
0xe6: {  	v35 =	vadd.s32 $0x8800, v0;
	_ =	sdelay $0x1  }
0xe7: {  	s31 =	simm.s32 $0x0  }
0xe8: {  	s14 =	sand.u32 $0x3F0, s31  }
0xe9: {  	[tilespmem:s14+$0x10800] =	vst v1  }
0xea: {  	v1 =	vld.idx.msk [tilespmem:v35+s2+$0x0], $0xffff  }
0xeb: {  	v36 =	vadd.s32 $0x8C00, v0;
	_ =	sdelay $0x3  }
0xec: {  	[tilespmem:s14+$0x10C00] =	vst v1  }
0xed: {  	v1 =	vld.idx.msk [tilespmem:v36+s2+$0x0], $0xffff  }
0xee: {  	v37 =	vadd.s32 $0x9000, v0;
	_ =	sdelay $0x3  }
0xef: {  	[tilespmem:s14+$0x11000] =	vst v1  }
0xf0: {  	v1 =	vld.idx.msk [tilespmem:v37+s2+$0x0], $0xffff  }
0xf1: {  	v38 =	vadd.s32 $0x9400, v0;
	_ =	sdelay $0x3  }
0xf2: {  	[tilespmem:s14+$0x11400] =	vst v1  }
0xf3: {  	v1 =	vld.idx.msk [tilespmem:v38+s2+$0x0], $0xffff  }
0xf4: {  	v39 =	vadd.s32 $0x9800, v0;
	_ =	sdelay $0x3  }
0xf5: {  	[tilespmem:s14+$0x11800] =	vst v1  }
0xf6: {  	v1 =	vld.idx.msk [tilespmem:v39+s2+$0x0], $0xffff  }
0xf7: {  	v40 =	vadd.s32 $0x9C00, v0;
	_ =	sdelay $0x3  }
0xf8: {  	[tilespmem:s14+$0x11C00] =	vst v1  }
0xf9: {  	v1 =	vld.idx.msk [tilespmem:v40+s2+$0x0], $0xffff  }
0xfa: {  	v41 =	vadd.s32 $0xA000, v0;
	_ =	sdelay $0x3  }
0xfb: {  	[tilespmem:s14+$0x12000] =	vst v1  }
0xfc: {  	v1 =	vld.idx.msk [tilespmem:v41+s2+$0x0], $0xffff  }
0xfd: {  	v42 =	vadd.s32 $0xA400, v0;
	_ =	sdelay $0x3  }
0xfe: {  	[tilespmem:s14+$0x12400] =	vst v1  }
0xff: {  	v1 =	vld.idx.msk [tilespmem:v42+s2+$0x0], $0xffff  }
0x100: {  	v43 =	vadd.s32 $0xA800, v0;
	_ =	sdelay $0x3  }
0x101: {  	[tilespmem:s14+$0x12800] =	vst v1  }
0x102: {  	v1 =	vld.idx.msk [tilespmem:v43+s2+$0x0], $0xffff  }
0x103: {  	v44 =	vadd.s32 $0xAC00, v0;
	_ =	sdelay $0x3  }
0x104: {  	[tilespmem:s14+$0x12C00] =	vst v1  }
0x105: {  	v1 =	vld.idx.msk [tilespmem:v44+s2+$0x0], $0xffff  }
0x106: {  	v45 =	vadd.s32 $0xB000, v0;
	_ =	sdelay $0x3  }
0x107: {  	[tilespmem:s14+$0x13000] =	vst v1  }
0x108: {  	v1 =	vld.idx.msk [tilespmem:v45+s2+$0x0], $0xffff  }
0x109: {  	v46 =	vadd.s32 $0xB400, v0;
	_ =	sdelay $0x3  }
0x10a: {  	[tilespmem:s14+$0x13400] =	vst v1  }
0x10b: {  	v1 =	vld.idx.msk [tilespmem:v46+s2+$0x0], $0xffff  }
0x10c: {  	v47 =	vadd.s32 $0xB800, v0;
	_ =	sdelay $0x3  }
0x10d: {  	[tilespmem:s14+$0x13800] =	vst v1  }
0x10e: {  	v1 =	vld.idx.msk [tilespmem:v47+s2+$0x0], $0xffff  }
0x10f: {  	v48 =	vadd.s32 $0xBC00, v0;
	_ =	sdelay $0x3  }
0x110: {  	[tilespmem:s14+$0x13C00] =	vst v1  }
0x111: {  	v1 =	vld.idx.msk [tilespmem:v48+s2+$0x0], $0xffff  }
0x112: {  	v49 =	vadd.s32 $0xC000, v0;
	_ =	sdelay $0x3  }
0x113: {  	[tilespmem:s14+$0x14000] =	vst v1  }
0x114: {  	v1 =	vld.idx.msk [tilespmem:v49+s2+$0x0], $0xffff  }
0x115: {  	v50 =	vadd.s32 $0xC400, v0;
	_ =	sdelay $0x3  }
0x116: {  	[tilespmem:s14+$0x14400] =	vst v1  }
0x117: {  	v1 =	vld.idx.msk [tilespmem:v50+s2+$0x0], $0xffff  }
0x118: {  	v51 =	vadd.s32 $0xC800, v0;
	_ =	sdelay $0x3  }
0x119: {  	[tilespmem:s14+$0x14800] =	vst v1  }
0x11a: {  	v1 =	vld.idx.msk [tilespmem:v51+s2+$0x0], $0xffff  }
0x11b: {  	v52 =	vadd.s32 $0xCC00, v0;
	_ =	sdelay $0x3  }
0x11c: {  	[tilespmem:s14+$0x14C00] =	vst v1  }
0x11d: {  	v1 =	vld.idx.msk [tilespmem:v52+s2+$0x0], $0xffff  }
0x11e: {  	v53 =	vadd.s32 $0xD000, v0;
	_ =	sdelay $0x3  }
0x11f: {  	[tilespmem:s14+$0x15000] =	vst v1  }
0x120: {  	v1 =	vld.idx.msk [tilespmem:v53+s2+$0x0], $0xffff  }
0x121: {  	v54 =	vadd.s32 $0xD400, v0;
	_ =	sdelay $0x3  }
0x122: {  	[tilespmem:s14+$0x15400] =	vst v1  }
0x123: {  	v1 =	vld.idx.msk [tilespmem:v54+s2+$0x0], $0xffff  }
0x124: {  	v55 =	vadd.s32 $0xD800, v0;
	_ =	sdelay $0x3  }
0x125: {  	[tilespmem:s14+$0x15800] =	vst v1  }
0x126: {  	v1 =	vld.idx.msk [tilespmem:v55+s2+$0x0], $0xffff  }
0x127: {  	v56 =	vadd.s32 $0xDC00, v0;
	_ =	sdelay $0x3  }
0x128: {  	[tilespmem:s14+$0x15C00] =	vst v1  }
0x129: {  	v1 =	vld.idx.msk [tilespmem:v56+s2+$0x0], $0xffff  }
0x12a: {  	v57 =	vadd.s32 $0xE000, v0;
	_ =	sdelay $0x3  }
0x12b: {  	[tilespmem:s14+$0x16000] =	vst v1  }
0x12c: {  	v1 =	vld.idx.msk [tilespmem:v57+s2+$0x0], $0xffff  }
0x12d: {  	v58 =	vadd.s32 $0xE400, v0;
	_ =	sdelay $0x3  }
0x12e: {  	[tilespmem:s14+$0x16400] =	vst v1  }
0x12f: {  	v1 =	vld.idx.msk [tilespmem:v58+s2+$0x0], $0xffff  }
0x130: {  	v59 =	vadd.s32 $0xE800, v0;
	_ =	sdelay $0x3  }
0x131: {  	[tilespmem:s14+$0x16800] =	vst v1  }
0x132: {  	v1 =	vld.idx.msk [tilespmem:v59+s2+$0x0], $0xffff  }
0x133: {  	v60 =	vadd.s32 $0xEC00, v0;
	_ =	sdelay $0x3  }
0x134: {  	[tilespmem:s14+$0x16C00] =	vst v1  }
0x135: {  	v1 =	vld.idx.msk [tilespmem:v60+s2+$0x0], $0xffff  }
0x136: {  	v61 =	vadd.s32 $0xF000, v0;
	_ =	sdelay $0x3  }
0x137: {  	[tilespmem:s14+$0x17000] =	vst v1  }
0x138: {  	v1 =	vld.idx.msk [tilespmem:v61+s2+$0x0], $0xffff  }
0x139: {  	v62 =	vadd.s32 $0xF400, v0;
	_ =	sdelay $0x3  }
0x13a: {  	[tilespmem:s14+$0x17400] =	vst v1  }
0x13b: {  	v1 =	vld.idx.msk [tilespmem:v62+s2+$0x0], $0xffff  }
0x13c: {  	v63 =	vadd.s32 $0xF800, v0;
	_ =	sdelay $0x3  }
0x13d: {  	[tilespmem:s14+$0x17800] =	vst v1  }
0x13e: {  	v1 =	vld.idx.msk [tilespmem:v63+s2+$0x0], $0xffff  }
0x13f: {  	v0 =	vadd.s32 $0xFC00, v0;
	_ =	sdelay $0x3  }
0x140: {  	[tilespmem:s14+$0x17C00] =	vst v1  }
0x141: {  	v0 =	vld.idx.msk [tilespmem:v0+s2+$0x0], $0xffff;
	_ =	sdelay $0x4  }
0x142: {  	s15 =	simm.s32 $0x10;
	[tilespmem:s14+$0x18000] =	vst v0;
	s14 =	simm.s32 $0x10010  }
.LBB2_4:
0x143: {  	v1 =	vld [tilespmem:s14+$0x0];
	p0 =	sne.s32 s15, $0x3F0;
	_ =	sdelay $0x4  }
0x144: {  	v2 =	vadd.s32 $0x8000, v1;
	v0 =	vadd.s32 $0xFC00, v1;
	_ =	sdelay $0x4  }
0x145: {  	v2 =	vld.idx.msk [tilespmem:v2+s2+$0x0], $0xffff;
	_ =	sdelay $0x1  }
0x146: {  	v3 =	vadd.s32 $0x8400, v1;
	_ =	sdelay $0x2  }
0x147: {  	s13 =	sadd.s32 $0x10, s13  }
0x148: {  	[tilespmem:s13+$0x0] =	vst v2  }
0x149: {  	v2 =	vld.idx.msk [tilespmem:v3+s2+$0x0], $0xffff;
	_ =	sdelay $0x1  }
0x14a: {  	v3 =	vadd.s32 $0x8800, v1;
	_ =	sdelay $0x2  }
0x14b: {  	s16 =	sand.u32 $0x3F0, s15  }
0x14c: {  	[tilespmem:s16+$0x10800] =	vst v2  }
0x14d: {  	v2 =	vld.idx.msk [tilespmem:v3+s2+$0x0], $0xffff;
	_ =	sdelay $0x1  }
0x14e: {  	v3 =	vadd.s32 $0x8C00, v1;
	_ =	sdelay $0x3  }
0x14f: {  	[tilespmem:s16+$0x10C00] =	vst v2  }
0x150: {  	v2 =	vld.idx.msk [tilespmem:v3+s2+$0x0], $0xffff;
	_ =	sdelay $0x1  }
0x151: {  	v3 =	vadd.s32 $0x9000, v1;
	_ =	sdelay $0x3  }
0x152: {  	[tilespmem:s16+$0x11000] =	vst v2  }
0x153: {  	v2 =	vld.idx.msk [tilespmem:v3+s2+$0x0], $0xffff;
	_ =	sdelay $0x1  }
0x154: {  	v3 =	vadd.s32 $0x9400, v1;
	_ =	sdelay $0x3  }
0x155: {  	[tilespmem:s16+$0x11400] =	vst v2  }
0x156: {  	v2 =	vld.idx.msk [tilespmem:v3+s2+$0x0], $0xffff;
	_ =	sdelay $0x1  }
0x157: {  	v3 =	vadd.s32 $0x9800, v1;
	_ =	sdelay $0x3  }
0x158: {  	[tilespmem:s16+$0x11800] =	vst v2  }
0x159: {  	v2 =	vld.idx.msk [tilespmem:v3+s2+$0x0], $0xffff;
	_ =	sdelay $0x1  }
0x15a: {  	v3 =	vadd.s32 $0x9C00, v1;
	_ =	sdelay $0x3  }
0x15b: {  	[tilespmem:s16+$0x11C00] =	vst v2  }
0x15c: {  	v2 =	vld.idx.msk [tilespmem:v3+s2+$0x0], $0xffff;
	_ =	sdelay $0x1  }
0x15d: {  	v3 =	vadd.s32 $0xA000, v1;
	_ =	sdelay $0x3  }
0x15e: {  	[tilespmem:s16+$0x12000] =	vst v2  }
0x15f: {  	v2 =	vld.idx.msk [tilespmem:v3+s2+$0x0], $0xffff;
	_ =	sdelay $0x1  }
0x160: {  	v3 =	vadd.s32 $0xA400, v1;
	_ =	sdelay $0x3  }
0x161: {  	[tilespmem:s16+$0x12400] =	vst v2  }
0x162: {  	v2 =	vld.idx.msk [tilespmem:v3+s2+$0x0], $0xffff;
	_ =	sdelay $0x1  }
0x163: {  	v3 =	vadd.s32 $0xA800, v1;
	_ =	sdelay $0x3  }
0x164: {  	[tilespmem:s16+$0x12800] =	vst v2  }
0x165: {  	v2 =	vld.idx.msk [tilespmem:v3+s2+$0x0], $0xffff;
	_ =	sdelay $0x1  }
0x166: {  	v3 =	vadd.s32 $0xAC00, v1;
	_ =	sdelay $0x3  }
0x167: {  	[tilespmem:s16+$0x12C00] =	vst v2  }
0x168: {  	v2 =	vld.idx.msk [tilespmem:v3+s2+$0x0], $0xffff;
	_ =	sdelay $0x1  }
0x169: {  	v3 =	vadd.s32 $0xB000, v1;
	_ =	sdelay $0x3  }
0x16a: {  	[tilespmem:s16+$0x13000] =	vst v2  }
0x16b: {  	v2 =	vld.idx.msk [tilespmem:v3+s2+$0x0], $0xffff;
	_ =	sdelay $0x1  }
0x16c: {  	v3 =	vadd.s32 $0xB400, v1;
	_ =	sdelay $0x3  }
0x16d: {  	[tilespmem:s16+$0x13400] =	vst v2  }
0x16e: {  	v2 =	vld.idx.msk [tilespmem:v3+s2+$0x0], $0xffff;
	_ =	sdelay $0x1  }
0x16f: {  	v3 =	vadd.s32 $0xB800, v1;
	_ =	sdelay $0x3  }
0x170: {  	[tilespmem:s16+$0x13800] =	vst v2  }
0x171: {  	v2 =	vld.idx.msk [tilespmem:v3+s2+$0x0], $0xffff;
	_ =	sdelay $0x1  }
0x172: {  	v3 =	vadd.s32 $0xBC00, v1;
	_ =	sdelay $0x3  }
0x173: {  	[tilespmem:s16+$0x13C00] =	vst v2  }
0x174: {  	v2 =	vld.idx.msk [tilespmem:v3+s2+$0x0], $0xffff;
	_ =	sdelay $0x1  }
0x175: {  	v3 =	vadd.s32 $0xC000, v1;
	_ =	sdelay $0x3  }
0x176: {  	[tilespmem:s16+$0x14000] =	vst v2  }
0x177: {  	v2 =	vld.idx.msk [tilespmem:v3+s2+$0x0], $0xffff;
	_ =	sdelay $0x1  }
0x178: {  	v3 =	vadd.s32 $0xC400, v1;
	_ =	sdelay $0x3  }
0x179: {  	[tilespmem:s16+$0x14400] =	vst v2  }
0x17a: {  	v2 =	vld.idx.msk [tilespmem:v3+s2+$0x0], $0xffff;
	_ =	sdelay $0x1  }
0x17b: {  	v3 =	vadd.s32 $0xC800, v1;
	_ =	sdelay $0x3  }
0x17c: {  	[tilespmem:s16+$0x14800] =	vst v2  }
0x17d: {  	v2 =	vld.idx.msk [tilespmem:v3+s2+$0x0], $0xffff;
	_ =	sdelay $0x1  }
0x17e: {  	v3 =	vadd.s32 $0xCC00, v1;
	_ =	sdelay $0x3  }
0x17f: {  	[tilespmem:s16+$0x14C00] =	vst v2  }
0x180: {  	v2 =	vld.idx.msk [tilespmem:v3+s2+$0x0], $0xffff;
	_ =	sdelay $0x1  }
0x181: {  	v3 =	vadd.s32 $0xD000, v1;
	_ =	sdelay $0x3  }
0x182: {  	[tilespmem:s16+$0x15000] =	vst v2  }
0x183: {  	v2 =	vld.idx.msk [tilespmem:v3+s2+$0x0], $0xffff;
	_ =	sdelay $0x1  }
0x184: {  	v3 =	vadd.s32 $0xD400, v1;
	_ =	sdelay $0x3  }
0x185: {  	[tilespmem:s16+$0x15400] =	vst v2  }
0x186: {  	v2 =	vld.idx.msk [tilespmem:v3+s2+$0x0], $0xffff;
	_ =	sdelay $0x1  }
0x187: {  	v3 =	vadd.s32 $0xD800, v1;
	_ =	sdelay $0x3  }
0x188: {  	[tilespmem:s16+$0x15800] =	vst v2  }
0x189: {  	v2 =	vld.idx.msk [tilespmem:v3+s2+$0x0], $0xffff;
	_ =	sdelay $0x1  }
0x18a: {  	v3 =	vadd.s32 $0xDC00, v1;
	_ =	sdelay $0x3  }
0x18b: {  	[tilespmem:s16+$0x15C00] =	vst v2  }
0x18c: {  	v2 =	vld.idx.msk [tilespmem:v3+s2+$0x0], $0xffff;
	_ =	sdelay $0x1  }
0x18d: {  	v3 =	vadd.s32 $0xE000, v1;
	_ =	sdelay $0x3  }
0x18e: {  	[tilespmem:s16+$0x16000] =	vst v2  }
0x18f: {  	v2 =	vld.idx.msk [tilespmem:v3+s2+$0x0], $0xffff;
	_ =	sdelay $0x1  }
0x190: {  	v3 =	vadd.s32 $0xE400, v1;
	_ =	sdelay $0x3  }
0x191: {  	[tilespmem:s16+$0x16400] =	vst v2  }
0x192: {  	v2 =	vld.idx.msk [tilespmem:v3+s2+$0x0], $0xffff;
	_ =	sdelay $0x1  }
0x193: {  	v3 =	vadd.s32 $0xE800, v1;
	_ =	sdelay $0x3  }
0x194: {  	[tilespmem:s16+$0x16800] =	vst v2  }
0x195: {  	v2 =	vld.idx.msk [tilespmem:v3+s2+$0x0], $0xffff;
	_ =	sdelay $0x1  }
0x196: {  	v3 =	vadd.s32 $0xEC00, v1;
	_ =	sdelay $0x3  }
0x197: {  	[tilespmem:s16+$0x16C00] =	vst v2  }
0x198: {  	v2 =	vld.idx.msk [tilespmem:v3+s2+$0x0], $0xffff;
	_ =	sdelay $0x1  }
0x199: {  	v3 =	vadd.s32 $0xF000, v1;
	_ =	sdelay $0x3  }
0x19a: {  	[tilespmem:s16+$0x17000] =	vst v2  }
0x19b: {  	v2 =	vld.idx.msk [tilespmem:v3+s2+$0x0], $0xffff;
	_ =	sdelay $0x1  }
0x19c: {  	v3 =	vadd.s32 $0xF400, v1;
	_ =	sdelay $0x3  }
0x19d: {  	[tilespmem:s16+$0x17400] =	vst v2  }
0x19e: {  	v2 =	vld.idx.msk [tilespmem:v3+s2+$0x0], $0xffff;
	_ =	sdelay $0x1  }
0x19f: {  	v1 =	vadd.s32 $0xF800, v1;
	_ =	sdelay $0x3  }
0x1a0: {  	[tilespmem:s16+$0x17800] =	vst v2  }
0x1a1: {  	v1 =	vld.idx.msk [tilespmem:v1+s2+$0x0], $0xffff;
	_ =	sdelay $0x5  }
0x1a2: {  	[tilespmem:s16+$0x17C00] =	vst v1  }
0x1a3: {  	v0 =	vld.idx.msk [tilespmem:v0+s2+$0x0], $0xffff;
	_ =	sdelay $0x1  }
.Ltmp1:
0x1a4: {  	(pc) =	sbr.rel @p0 .LBB2_4-.Ltmp1, $2  }
0x1a5: {  	_ =	sdelay $0x2  }
0x1a6: {  	s14 =	sadd.s32 $0x10, s14;
	s15 =	sadd.s32 $0x10, s15;
	[tilespmem:s16+$0x18000] =	vst v0  }
0x1a7: {  	s12 =	sadd.s32 $0x1, s12  }
0x1a8: {  	p0 =	sne.s32 s12, s7  }
.Ltmp2:
0x1a9: {  	_ = 	snop;
	(pc) =	sbr.rel @p0 .LBB2_1-.Ltmp2, $4  }
0x1aa: {  	[hbm4b:s6+s9] =	stream.strided.scatter [tilespmem:s11], [sflag:$0x1], $0x8000, s10, s9, $0x38;
	[tilespmem:$0x18400] =	vst v63  }
0x1ab: {  	_ =	swait.ge [sflag:s8], $0x8000  }
0x1ac: {  	[sflag:s8] =	ssyncset.done $0x0  }
0x1ad: {  	[sflag:s8] =	ssyncadd.s32 $0xFFFF8000  }
0x1ae: {  	_ =	sfence.sel $0x180000  }
0x1af: {  	[bflag:$0x0] =	sbarrier.arrive $0xFFFF  }
0x1b0: {  	p0 =	sne.s32 s1, $0x0;
	_ =	strace $0x90000047  }
0x1b1: {  	s0 =	sadd.s32 @!p0 $0x100000, s0;
	[bflag:$0x2] =	sbarrier.arrive $0xFFFF  }
0x1b2: {  	[sflag:s0] =	ssyncadd.tile.s32 @!p0 $0x1;
	_ =	shalt  }
.Lfunc_end2:
_tile_overlayer_lowered:
.L_overlay_start_2:
0x1b3: {  	(tag) =	ssettag $0x2  }
0x1b4: {  	s0 =	rddreg [dreg:$0x0];
	s2 =	stileid.u32  }
0x1b5: {  	s1 =	rddreg [dreg:$0x1];
	p0 =	sne.s32 s2, $0x0  }
0x1b6: {  	s3 =	rddreg [dreg:$0x2];
	[bflag:$0x3] =	sbarrier.arrive $0xFFFF;
	s2 =	simm.s32 @!p0 $0x1C01  }
0x1b7: {  	[timem:s3], [sflag:s2] =	dma.local @!p0 [hbm:s0], s1  }
0x1b8: {  	s0 =	simm.s32 @!p0 $0x1  }
0x1b9: {  	_ =	swait.ge @!p0 [sflag:s0], s1  }
0x1ba: {  	s1 =	ssub.s32 @!p0 $0x0, s1;
	[sflag:s0] =	ssyncset.done @!p0 $0x0  }
0x1bb: {  	[sflag:s0] =	ssyncadd.s32 @!p0 s1  }
0x1bc: {  	[bflag:$0x3] =	sbarrier.arrive $0xFFFF  }
0x1bd: {  	_ =	shalt  }

</sc_bundles>
